<compile_context>
chip_gen: v7x
topology: tpu7x:2x2x1
jax: 0.10.2.dev20260603
libtpu: 0.0.44.dev20260713+nightly
codegen_flags: <defaults>
</compile_context>

<pallas_src>
import functools

import jax
import jax.numpy as jnp
from jax import lax
from jax.experimental import pallas as pl
from jax.experimental.pallas import tpu as pltpu
from jax.experimental.pallas import tpu_sc as plsc

N = 10000
E = 320000
D = 128
F = 32
FP = 128

NC = 2
NS = 16
NW = NC * NS

CH = 128
NCH = 80
EPW = NCH * CH
EP = NW * EPW
NP = 10240
RT = NP // NS

_mesh = plsc.VectorSubcoreMesh(core_axis_name="c", subcore_axis_name="s")

HIGHEST = lax.Precision.HIGHEST



@functools.partial(
    pl.kernel,
    out_type=jax.ShapeDtypeStruct((NC, NP), jnp.float32),
    mesh=_mesh,
    scratch_types=[
        pltpu.VMEM((NCH, CH), jnp.int32),
        pltpu.VMEM((CH,), jnp.float32),
        pltpu.VMEM_SHARED((NP,), jnp.float32),
        pltpu.SemaphoreType.DMA,
    ],
)
def _sc_degree(dstw_hbm, zn_hbm, ones_hbm, out_hbm, dst_v, ones_v, acc_sh, sem):
    c = lax.axis_index("c")
    s = lax.axis_index("s")
    wid = s * NC + c
    r0 = s * RT
    pltpu.sync_copy(zn_hbm.at[pl.ds(r0, RT)], acc_sh.at[pl.ds(r0, RT)])
    pltpu.sync_copy(dstw_hbm.at[wid], dst_v)
    pltpu.sync_copy(ones_hbm, ones_v)
    plsc.subcore_barrier()

    def body(j, carry):
        pltpu.sync_copy(ones_v, acc_sh.at[dst_v.at[j]], add=True)
        return carry

    lax.fori_loop(0, NCH, body, 0, unroll=False)
    plsc.subcore_barrier()
    pltpu.sync_copy(acc_sh.at[pl.ds(r0, RT)], out_hbm.at[c, pl.ds(r0, RT)])


@functools.partial(
    pl.kernel,
    out_type=jax.ShapeDtypeStruct((NC, NP, FP), jnp.float32),
    mesh=_mesh,
    scratch_types=[
        pltpu.VMEM((NCH, CH), jnp.int32),
        pltpu.VMEM((CH,), jnp.int32),
        pltpu.VMEM((CH,), jnp.int32),
        pltpu.VMEM((CH, FP), jnp.float32),
        pltpu.VMEM((CH, FP), jnp.float32),
        pltpu.VMEM_SHARED((NP, FP), jnp.float32),
        pltpu.SemaphoreType.DMA,
        pltpu.SemaphoreType.DMA,
    ],
)
def _sc_scatter(q_hbm, srcw_hbm, dstw_hbm, znf_hbm, out_hbm,
                src_v, dst0, dst1, rows0, rows1, acc_sh, sem0, sem1):
    c = lax.axis_index("c")
    s = lax.axis_index("s")
    wid = s * NC + c
    r0 = s * RT
    pltpu.sync_copy(znf_hbm.at[pl.ds(r0, RT)], acc_sh.at[pl.ds(r0, RT)])
    pltpu.sync_copy(srcw_hbm.at[wid], src_v)
    plsc.subcore_barrier()

    pltpu.async_copy(q_hbm.at[src_v.at[0]], rows0, sem0)
    pltpu.async_copy(dstw_hbm.at[wid, 0], dst0, sem0)
    pltpu.async_copy(q_hbm.at[src_v.at[1]], rows1, sem1)
    pltpu.async_copy(dstw_hbm.at[wid, 1], dst1, sem1)

    def step(j, rows_v, dst_v, sem):
        pltpu.make_async_copy(q_hbm.at[src_v.at[j]], rows_v, sem).wait()
        pltpu.make_async_copy(dstw_hbm.at[wid, j], dst_v, sem).wait()
        pltpu.sync_copy(rows_v, acc_sh.at[dst_v], add=True)

    def body(i, carry):
        j = 2 * i
        step(j, rows0, dst0, sem0)
        pltpu.async_copy(q_hbm.at[src_v.at[j + 2]], rows0, sem0)
        pltpu.async_copy(dstw_hbm.at[wid, j + 2], dst0, sem0)
        step(j + 1, rows1, dst1, sem1)
        pltpu.async_copy(q_hbm.at[src_v.at[j + 3]], rows1, sem1)
        pltpu.async_copy(dstw_hbm.at[wid, j + 3], dst1, sem1)
        return carry

    lax.fori_loop(0, NCH // 2 - 1, body, 0, unroll=False)
    step(NCH - 2, rows0, dst0, sem0)
    step(NCH - 1, rows1, dst1, sem1)
    plsc.subcore_barrier()
    pltpu.sync_copy(acc_sh.at[pl.ds(r0, RT)], out_hbm.at[c, pl.ds(r0, RT)])



def _tc_mm_body(x_ref, w1_ref, p_ref):
    p_ref[...] = jnp.dot(x_ref[...], w1_ref[...],
                         preferred_element_type=jnp.float32, precision=HIGHEST)


def _tc_a_body(degp_ref, p_ref, q_ref):
    degp = degp_ref[...]
    deg = degp[0, :N] + degp[1, :N] + 1.0
    dinv = lax.rsqrt(deg)
    q_ref[...] = jnp.pad(p_ref[...] * dinv[:, None], ((0, NP - N), (0, FP - F)))


def _tc_b_body(aggp_ref, q1_ref, degp_ref, w2_ref, b1_ref, q2_ref):
    degp = degp_ref[...]
    deg = degp[0, :N] + degp[1, :N] + 1.0
    dinv = lax.rsqrt(deg)
    agg = aggp_ref[0, :N, :F] + aggp_ref[1, :N, :F] + q1_ref[:N, :F]
    h1 = jnp.maximum(agg * dinv[:, None] + b1_ref[...][None, :], 0.0)
    p2 = jnp.dot(h1, w2_ref[...],
                 preferred_element_type=jnp.float32, precision=HIGHEST)
    q2_ref[...] = jnp.pad(p2 * dinv[:, None], ((0, NP - N), (0, FP - F)))


def _tc_c_body(aggp_ref, q2_ref, degp_ref, b2_ref, wf1_ref, bf1_ref,
               wf2_ref, bf2_ref, o_ref):
    degp = degp_ref[...]
    deg = degp[0, :N] + degp[1, :N] + 1.0
    dinv = lax.rsqrt(deg)
    agg = aggp_ref[0, :N, :F] + aggp_ref[1, :N, :F] + q2_ref[:N, :F]
    h2 = jnp.maximum(agg * dinv[:, None] + b2_ref[...][None, :], 0.0)
    pooled = jnp.sum(h2, axis=0, keepdims=True)
    o = jnp.dot(pooled, wf1_ref[...],
                preferred_element_type=jnp.float32, precision=HIGHEST)
    o = jnp.maximum(o + bf1_ref[...][None, :], 0.0)
    o = jnp.dot(o, wf2_ref[...],
                preferred_element_type=jnp.float32, precision=HIGHEST)
    o = o + bf2_ref[...][None, :]
    o = o - jnp.max(o, axis=-1, keepdims=True)
    e = jnp.exp(o)
    o_ref[...] = e / jnp.sum(e, axis=-1, keepdims=True)


def _tc_call(body, out_shape, *args):
    return pl.pallas_call(body, out_shape=out_shape)(*args)



def kernel(x, edge_index, W1, b1, W2, b2, Wf1, bf1, Wf2, bf2):
    src = edge_index[0]
    dst = edge_index[1]
    pad = jnp.arange(EP - E, dtype=jnp.int32)
    src_p = jnp.concatenate([src, pad % N]).reshape(NW, NCH, CH)
    dst_p = jnp.concatenate([dst, N + pad % (NP - N)]).reshape(NW, NCH, CH)

    zn = jnp.zeros((NP,), jnp.float32)
    znf = jnp.zeros((NP, FP), jnp.float32)
    ones = jnp.ones((CH,), jnp.float32)

    degp = _sc_degree(dst_p, zn, ones)
    p1 = _tc_call(_tc_mm_body, jax.ShapeDtypeStruct((N, F), jnp.float32),
                  x, W1)
    q1 = _tc_call(_tc_a_body, jax.ShapeDtypeStruct((NP, FP), jnp.float32),
                  degp, p1)
    aggp1 = _sc_scatter(q1, src_p, dst_p, znf)
    q2 = _tc_call(_tc_b_body, jax.ShapeDtypeStruct((NP, FP), jnp.float32),
                  aggp1, q1, degp, W2, b1)
    aggp2 = _sc_scatter(q2, src_p, dst_p, znf)
    o = _tc_call(_tc_c_body, jax.ShapeDtypeStruct((1, 10), jnp.float32),
                 aggp2, q2, degp, b2, Wf1, bf1, Wf2, bf2)
    return o

# --- scband reference (transcript-rebuilt; emitter-appended) ---
"""Pipeline reference for scband-net-25529285607552 (READ-ONLY COPY).

The authoritative reference and input builder live on the scoring server;
editing this copy changes nothing except your own understanding.
"""

import jax, jax.numpy as jnp
import numpy as np

N = 10000
E = 320000
D = 128


def setup_inputs(seed: int = 0):
    key = jax.random.key(seed)
    ks = jax.random.split(key, 10)
    x = jax.random.normal(ks[0], (N, D), dtype=jnp.float32)
    edge_index = jax.random.randint(ks[1], (2, E), 0, N, dtype=jnp.int32)
    W1 = jax.random.normal(ks[2], (D, 32), dtype=jnp.float32) / np.sqrt(D)
    b1 = jnp.zeros((32,), dtype=jnp.float32)
    W2 = jax.random.normal(ks[3], (32, 32), dtype=jnp.float32) / np.sqrt(32.0)
    b2 = jnp.zeros((32,), dtype=jnp.float32)
    Wf1 = jax.random.normal(ks[4], (32, 512), dtype=jnp.float32) / np.sqrt(32.0)
    bf1 = jnp.zeros((512,), dtype=jnp.float32)
    Wf2 = jax.random.normal(ks[5], (512, 10), dtype=jnp.float32) / np.sqrt(512.0)
    bf2 = jnp.zeros((10,), dtype=jnp.float32)
    return {"x": x, "edge_index": edge_index, "W1": W1, "b1": b1, "W2": W2, "b2": b2, "Wf1": Wf1, "bf1": bf1, "Wf2": Wf2, "bf2": bf2}


def _gcn_norm(edge_index):
    # symmetric GCN normalization with self-loops: D^-1/2 (A+I) D^-1/2
    loops = jnp.arange(N, dtype=edge_index.dtype)
    src = jnp.concatenate([edge_index[0], loops])
    dst = jnp.concatenate([edge_index[1], loops])
    deg = jax.ops.segment_sum(jnp.ones_like(src, dtype=jnp.float32), dst, num_segments=N)
    dinv = jnp.where(deg > 0, 1.0 / jnp.sqrt(deg), 0.0)
    w = dinv[src] * dinv[dst]
    return src, dst, w


def _gcn_conv(h, src, dst, w, W, b):
    h = h @ W
    msg = h[src] * w[:, None]
    agg = jax.ops.segment_sum(msg, dst, num_segments=N)
    return jax.nn.relu(agg + b)


def reference(x, edge_index, W1, b1, W2, b2, Wf1, bf1, Wf2, bf2):
    src, dst, w = _gcn_norm(edge_index)
    h = _gcn_conv(x, src, dst, w, W1, b1)
    h = _gcn_conv(h, src, dst, w, W2, b2)
    pooled = jnp.sum(h, axis=0, keepdims=True)  # GlobalSumPool (single graph)
    o = jax.nn.relu(pooled @ Wf1 + bf1)
    o = jax.nn.softmax(o @ Wf2 + bf2, axis=-1)
    return o

if __name__ == "__main__":
    import jax
    _d = setup_inputs()
    print(jax.jit(kernel)(*tuple(_d.values())))

</pallas_src>

<mosaic_0001>
#map = affine_map<(d0, d1) -> (0, 0)>
#map1 = affine_map<(d0, d1) -> (0, 0, 0)>
module attributes {stable_mosaic.version = 14 : i64} {
  func.func @_sc_scatter(%arg0: i32, %arg1: i32, %arg2: memref<10240x128xf32, #tpu.memory_space<hbm>>, %arg3: memref<32x80x128xi32, #tpu.memory_space<hbm>>, %arg4: memref<32x80x128xi32, #tpu.memory_space<hbm>>, %arg5: memref<10240x128xf32, #tpu.memory_space<hbm>>, %arg6: memref<2x10240x128xf32, #tpu.memory_space<hbm>>, %arg7: memref<80x128xi32, #tpu.memory_space<vmem>>, %arg8: memref<128xi32, #tpu.memory_space<vmem>>, %arg9: memref<128xi32, #tpu.memory_space<vmem>>, %arg10: memref<128x128xf32, #tpu.memory_space<vmem>>, %arg11: memref<128x128xf32, #tpu.memory_space<vmem>>, %arg12: memref<10240x128xf32, #tpu.memory_space<vmem_shared>>, %arg13: memref<!tpu.dma_semaphore, #tpu.memory_space<semaphore_mem>>, %arg14: memref<!tpu.dma_semaphore, #tpu.memory_space<semaphore_mem>>) attributes {dimension_semantics = [#tpu.dimension_semantics<core_parallel>, #tpu.dimension_semantics<subcore_parallel>], iteration_bounds = array<i64: 2, 16>, scalar_prefetch = 0 : i64, scratch_operands = 8 : i64, tpu.core_type = #tpu.core_type<sc_vector_subcore>, window_params = [{transform_indices = #map}, {transform_indices = #map1}, {transform_indices = #map1}, {transform_indices = #map}, {transform_indices = #map1}]} {
    %mul3A = arith.constant 2 : i32
    %mul3A_0 = arith.muli %arg1, %mul3A : i32
    %add3A = arith.addi %mul3A_0, %arg0 : i32
    %mul3A_1 = arith.constant 640 : i32
    %mul3A_2 = arith.muli %arg1, %mul3A_1 : i32
    "tpu.region"() ({
      %run_scoped3A = tpu.sem_alloc : memref<!tpu.dma_semaphore, #tpu.memory_space<semaphore_mem>>
      %dma_start3A_63 = arith.constant 0 : i32
      %dma_start3A_64 = tpu.memref_slice %arg12[%mul3A_2, %dma_start3A_63] : memref<10240x128xf32, #tpu.memory_space<vmem_shared>> -> memref<640x128xf32, #tpu.memory_space<vmem_shared>>
      %dma_start3A_65 = arith.constant 0 : i32
      %dma_start3A_66 = tpu.memref_slice %arg5[%mul3A_2, %dma_start3A_65] : memref<10240x128xf32, #tpu.memory_space<hbm>> -> memref<640x128xf32, #tpu.memory_space<hbm>>
      tpu.enqueue_dma source(%dma_start3A_66 : memref<640x128xf32, #tpu.memory_space<hbm>>) target(%dma_start3A_64 : memref<640x128xf32, #tpu.memory_space<vmem_shared>>) target_semaphore(%run_scoped3A : memref<!tpu.dma_semaphore, #tpu.memory_space<semaphore_mem>>)
      %dma_wait3A_67 = arith.constant 0 : i32
      %dma_wait3A_68 = tpu.memref_slice %arg12[%mul3A_2, %dma_wait3A_67] : memref<10240x128xf32, #tpu.memory_space<vmem_shared>> -> memref<640x128xf32, #tpu.memory_space<vmem_shared>>
      %dma_wait3A_69 = arith.constant 0 : i32
      %dma_wait3A_70 = tpu.memref_slice %arg5[%mul3A_2, %dma_wait3A_69] : memref<10240x128xf32, #tpu.memory_space<hbm>> -> memref<640x128xf32, #tpu.memory_space<hbm>>
      tpu.wait_dma2 semaphore(%run_scoped3A : memref<!tpu.dma_semaphore, #tpu.memory_space<semaphore_mem>>) src(%dma_wait3A_70 : memref<640x128xf32, #tpu.memory_space<hbm>>) dst(%dma_wait3A_68 : memref<640x128xf32, #tpu.memory_space<vmem_shared>>)
      tpu.yield
    }) : () -> ()
    "tpu.region"() ({
      %run_scoped3A = tpu.sem_alloc : memref<!tpu.dma_semaphore, #tpu.memory_space<semaphore_mem>>
      %dma_start3A_63 = arith.constant 0 : i32
      %dma_start3A_64 = arith.constant 0 : i32
      %dma_start3A_65 = tpu.memref_slice %arg3[%add3A, %dma_start3A_63, %dma_start3A_64] : memref<32x80x128xi32, #tpu.memory_space<hbm>> -> memref<1x80x128xi32, #tpu.memory_space<hbm>>
      %dma_start3A_66 = tpu.memref_squeeze %dma_start3A_65 : memref<1x80x128xi32, #tpu.memory_space<hbm>> -> memref<80x128xi32, #tpu.memory_space<hbm>>
      %dma_start3A_67 = arith.constant 0 : i32
      %dma_start3A_68 = arith.constant 0 : i32
      %dma_start3A_69 = tpu.memref_slice %arg3[%add3A, %dma_start3A_67, %dma_start3A_68] : memref<32x80x128xi32, #tpu.memory_space<hbm>> -> memref<1x80x128xi32, #tpu.memory_space<hbm>>
      %dma_start3A_70 = tpu.memref_squeeze %dma_start3A_69 : memref<1x80x128xi32, #tpu.memory_space<hbm>> -> memref<80x128xi32, #tpu.memory_space<hbm>>
      tpu.enqueue_dma source(%dma_start3A_70 : memref<80x128xi32, #tpu.memory_space<hbm>>) target(%arg7 : memref<80x128xi32, #tpu.memory_space<vmem>>) target_semaphore(%run_scoped3A : memref<!tpu.dma_semaphore, #tpu.memory_space<semaphore_mem>>)
      %dma_wait3A_71 = arith.constant 0 : i32
      %dma_wait3A_72 = arith.constant 0 : i32
      %dma_wait3A_73 = tpu.memref_slice %arg3[%add3A, %dma_wait3A_71, %dma_wait3A_72] : memref<32x80x128xi32, #tpu.memory_space<hbm>> -> memref<1x80x128xi32, #tpu.memory_space<hbm>>
      %dma_wait3A_74 = tpu.memref_squeeze %dma_wait3A_73 : memref<1x80x128xi32, #tpu.memory_space<hbm>> -> memref<80x128xi32, #tpu.memory_space<hbm>>
      %dma_wait3A_75 = arith.constant 0 : i32
      %dma_wait3A_76 = arith.constant 0 : i32
      %dma_wait3A_77 = tpu.memref_slice %arg3[%add3A, %dma_wait3A_75, %dma_wait3A_76] : memref<32x80x128xi32, #tpu.memory_space<hbm>> -> memref<1x80x128xi32, #tpu.memory_space<hbm>>
      %dma_wait3A_78 = tpu.memref_squeeze %dma_wait3A_77 : memref<1x80x128xi32, #tpu.memory_space<hbm>> -> memref<80x128xi32, #tpu.memory_space<hbm>>
      tpu.wait_dma2 semaphore(%run_scoped3A : memref<!tpu.dma_semaphore, #tpu.memory_space<semaphore_mem>>) src(%dma_wait3A_78 : memref<80x128xi32, #tpu.memory_space<hbm>>) dst(%arg7 : memref<80x128xi32, #tpu.memory_space<vmem>>)
      tpu.yield
    }) : () -> ()
    %barrier3A = arith.constant 0 : index
    tpu.barrier barrier_id(%barrier3A)
    %dma_start3A = arith.constant 0 : i32
    %dma_start3A_3 = arith.constant 0 : i32
    %dma_start3A_4 = tpu.memref_slice %arg7[%dma_start3A, %dma_start3A_3] : memref<80x128xi32, #tpu.memory_space<vmem>> -> memref<1x128xi32, #tpu.memory_space<vmem>>
    %dma_start3A_5 = tpu.memref_squeeze %dma_start3A_4 : memref<1x128xi32, #tpu.memory_space<vmem>> -> memref<128xi32, #tpu.memory_space<vmem>>
    %dma_start3A_6 = arith.constant 0 : i32
    %dma_start3A_7 = arith.constant 0 : i32
    %dma_start3A_8 = tpu.memref_slice %arg2[%dma_start3A_6, %dma_start3A_7] : memref<10240x128xf32, #tpu.memory_space<hbm>> -> memref<10240x128xf32, #tpu.memory_space<hbm>>
    tpu.enqueue_indirect_dma source(%dma_start3A_8 : memref<10240x128xf32, #tpu.memory_space<hbm>>) target(%arg10 : memref<128x128xf32, #tpu.memory_space<vmem>>) offsets(%dma_start3A_5 : memref<128xi32, #tpu.memory_space<vmem>>) semaphore(%arg13 : memref<!tpu.dma_semaphore, #tpu.memory_space<semaphore_mem>>)
    %dma_start3A_9 = arith.constant 0 : i32
    %dma_start3A_10 = arith.constant 0 : i32
    %dma_start3A_11 = tpu.memref_slice %arg4[%add3A, %dma_start3A_9, %dma_start3A_10] : memref<32x80x128xi32, #tpu.memory_space<hbm>> -> memref<1x1x128xi32, #tpu.memory_space<hbm>>
    %dma_start3A_12 = tpu.memref_squeeze %dma_start3A_11 : memref<1x1x128xi32, #tpu.memory_space<hbm>> -> memref<128xi32, #tpu.memory_space<hbm>>
    %dma_start3A_13 = arith.constant 0 : i32
    %dma_start3A_14 = tpu.memref_slice %arg4[%add3A, %dma_start3A_9, %dma_start3A_13] : memref<32x80x128xi32, #tpu.memory_space<hbm>> -> memref<1x1x128xi32, #tpu.memory_space<hbm>>
    %dma_start3A_15 = tpu.memref_squeeze %dma_start3A_14 : memref<1x1x128xi32, #tpu.memory_space<hbm>> -> memref<128xi32, #tpu.memory_space<hbm>>
    tpu.enqueue_dma source(%dma_start3A_15 : memref<128xi32, #tpu.memory_space<hbm>>) target(%arg8 : memref<128xi32, #tpu.memory_space<vmem>>) target_semaphore(%arg13 : memref<!tpu.dma_semaphore, #tpu.memory_space<semaphore_mem>>)
    %dma_start3A_16 = arith.constant 1 : i32
    %dma_start3A_17 = arith.constant 0 : i32
    %dma_start3A_18 = tpu.memref_slice %arg7[%dma_start3A_16, %dma_start3A_17] : memref<80x128xi32, #tpu.memory_space<vmem>> -> memref<1x128xi32, #tpu.memory_space<vmem>>
    %dma_start3A_19 = tpu.memref_squeeze %dma_start3A_18 : memref<1x128xi32, #tpu.memory_space<vmem>> -> memref<128xi32, #tpu.memory_space<vmem>>
    %dma_start3A_20 = arith.constant 0 : i32
    %dma_start3A_21 = arith.constant 0 : i32
    %dma_start3A_22 = tpu.memref_slice %arg2[%dma_start3A_20, %dma_start3A_21] : memref<10240x128xf32, #tpu.memory_space<hbm>> -> memref<10240x128xf32, #tpu.memory_space<hbm>>
    tpu.enqueue_indirect_dma source(%dma_start3A_22 : memref<10240x128xf32, #tpu.memory_space<hbm>>) target(%arg11 : memref<128x128xf32, #tpu.memory_space<vmem>>) offsets(%dma_start3A_19 : memref<128xi32, #tpu.memory_space<vmem>>) semaphore(%arg14 : memref<!tpu.dma_semaphore, #tpu.memory_space<semaphore_mem>>)
    %dma_start3A_23 = arith.constant 1 : i32
    %dma_start3A_24 = arith.constant 0 : i32
    %dma_start3A_25 = tpu.memref_slice %arg4[%add3A, %dma_start3A_23, %dma_start3A_24] : memref<32x80x128xi32, #tpu.memory_space<hbm>> -> memref<1x1x128xi32, #tpu.memory_space<hbm>>
    %dma_start3A_26 = tpu.memref_squeeze %dma_start3A_25 : memref<1x1x128xi32, #tpu.memory_space<hbm>> -> memref<128xi32, #tpu.memory_space<hbm>>
    %dma_start3A_27 = arith.constant 0 : i32
    %dma_start3A_28 = tpu.memref_slice %arg4[%add3A, %dma_start3A_23, %dma_start3A_27] : memref<32x80x128xi32, #tpu.memory_space<hbm>> -> memref<1x1x128xi32, #tpu.memory_space<hbm>>
    %dma_start3A_29 = tpu.memref_squeeze %dma_start3A_28 : memref<1x1x128xi32, #tpu.memory_space<hbm>> -> memref<128xi32, #tpu.memory_space<hbm>>
    tpu.enqueue_dma source(%dma_start3A_29 : memref<128xi32, #tpu.memory_space<hbm>>) target(%arg9 : memref<128xi32, #tpu.memory_space<vmem>>) target_semaphore(%arg14 : memref<!tpu.dma_semaphore, #tpu.memory_space<semaphore_mem>>)
    %scan3A = arith.constant 0 : i32
    %scan3A_30 = arith.constant 0 : i32
    %scan3A_31 = arith.constant 39 : i32
    %scan3A_32 = arith.addi %scan3A_30, %scan3A_31 : i32
    %scan3A_33 = arith.constant 1 : i32
    scf.for %scan3A_63 = %scan3A_30 to %scan3A_32 step %scan3A_33  : i32 {
      %mul3A_64 = arith.constant 2 : i32
      %mul3A_65 = arith.muli %mul3A_64, %scan3A_63 : i32
      %dma_wait3A_66 = arith.constant 0 : i32
      %dma_wait3A_67 = tpu.memref_slice %arg7[%mul3A_65, %dma_wait3A_66] : memref<80x128xi32, #tpu.memory_space<vmem>> -> memref<1x128xi32, #tpu.memory_space<vmem>>
      %dma_wait3A_68 = tpu.memref_squeeze %dma_wait3A_67 : memref<1x128xi32, #tpu.memory_space<vmem>> -> memref<128xi32, #tpu.memory_space<vmem>>
      %dma_wait3A_69 = arith.constant 0 : i32
      %dma_wait3A_70 = arith.constant 0 : i32
      %dma_wait3A_71 = tpu.memref_slice %arg2[%dma_wait3A_69, %dma_wait3A_70] : memref<10240x128xf32, #tpu.memory_space<hbm>> -> memref<10240x128xf32, #tpu.memory_space<hbm>>
      tpu.wait_indirect_dma semaphore(%arg13 : memref<!tpu.dma_semaphore, #tpu.memory_space<semaphore_mem>>) src(%dma_wait3A_71 : memref<10240x128xf32, #tpu.memory_space<hbm>>) dst(%arg10 : memref<128x128xf32, #tpu.memory_space<vmem>>)
      %dma_wait3A_72 = arith.constant 0 : i32
      %dma_wait3A_73 = tpu.memref_slice %arg4[%add3A, %mul3A_65, %dma_wait3A_72] : memref<32x80x128xi32, #tpu.memory_space<hbm>> -> memref<1x1x128xi32, #tpu.memory_space<hbm>>
      %dma_wait3A_74 = tpu.memref_squeeze %dma_wait3A_73 : memref<1x1x128xi32, #tpu.memory_space<hbm>> -> memref<128xi32, #tpu.memory_space<hbm>>
      %dma_wait3A_75 = arith.constant 0 : i32
      %dma_wait3A_76 = tpu.memref_slice %arg4[%add3A, %mul3A_65, %dma_wait3A_75] : memref<32x80x128xi32, #tpu.memory_space<hbm>> -> memref<1x1x128xi32, #tpu.memory_space<hbm>>
      %dma_wait3A_77 = tpu.memref_squeeze %dma_wait3A_76 : memref<1x1x128xi32, #tpu.memory_space<hbm>> -> memref<128xi32, #tpu.memory_space<hbm>>
      tpu.wait_dma2 semaphore(%arg13 : memref<!tpu.dma_semaphore, #tpu.memory_space<semaphore_mem>>) src(%dma_wait3A_77 : memref<128xi32, #tpu.memory_space<hbm>>) dst(%arg8 : memref<128xi32, #tpu.memory_space<vmem>>)
      "tpu.region"() ({
        %run_scoped3A = tpu.sem_alloc : memref<!tpu.dma_semaphore, #tpu.memory_space<semaphore_mem>>
        %dma_start3A_124 = arith.constant 0 : i32
        %dma_start3A_125 = arith.constant 0 : i32
        %dma_start3A_126 = tpu.memref_slice %arg12[%dma_start3A_124, %dma_start3A_125] : memref<10240x128xf32, #tpu.memory_space<vmem_shared>> -> memref<10240x128xf32, #tpu.memory_space<vmem_shared>>
        tpu.enqueue_indirect_dma source(%arg10 : memref<128x128xf32, #tpu.memory_space<vmem>>) target(%dma_start3A_126 : memref<10240x128xf32, #tpu.memory_space<vmem_shared>>) offsets(%arg8 : memref<128xi32, #tpu.memory_space<vmem>>) semaphore(%run_scoped3A : memref<!tpu.dma_semaphore, #tpu.memory_space<semaphore_mem>>) {add = true}
        %dma_wait3A_127 = arith.constant 0 : i32
        %dma_wait3A_128 = arith.constant 0 : i32
        %dma_wait3A_129 = tpu.memref_slice %arg12[%dma_wait3A_127, %dma_wait3A_128] : memref<10240x128xf32, #tpu.memory_space<vmem_shared>> -> memref<10240x128xf32, #tpu.memory_space<vmem_shared>>
        tpu.wait_indirect_dma semaphore(%run_scoped3A : memref<!tpu.dma_semaphore, #tpu.memory_space<semaphore_mem>>) src(%arg10 : memref<128x128xf32, #tpu.memory_space<vmem>>) dst(%dma_wait3A_129 : memref<10240x128xf32, #tpu.memory_space<vmem_shared>>)
        tpu.yield
      }) : () -> ()
      %add3A_78 = arith.constant 2 : i32
      %add3A_79 = arith.addi %mul3A_65, %add3A_78 : i32
      %dma_start3A_80 = arith.constant 0 : i32
      %dma_start3A_81 = tpu.memref_slice %arg7[%add3A_79, %dma_start3A_80] : memref<80x128xi32, #tpu.memory_space<vmem>> -> memref<1x128xi32, #tpu.memory_space<vmem>>
      %dma_start3A_82 = tpu.memref_squeeze %dma_start3A_81 : memref<1x128xi32, #tpu.memory_space<vmem>> -> memref<128xi32, #tpu.memory_space<vmem>>
      %dma_start3A_83 = arith.constant 0 : i32
      %dma_start3A_84 = arith.constant 0 : i32
      %dma_start3A_85 = tpu.memref_slice %arg2[%dma_start3A_83, %dma_start3A_84] : memref<10240x128xf32, #tpu.memory_space<hbm>> -> memref<10240x128xf32, #tpu.memory_space<hbm>>
      tpu.enqueue_indirect_dma source(%dma_start3A_85 : memref<10240x128xf32, #tpu.memory_space<hbm>>) target(%arg10 : memref<128x128xf32, #tpu.memory_space<vmem>>) offsets(%dma_start3A_82 : memref<128xi32, #tpu.memory_space<vmem>>) semaphore(%arg13 : memref<!tpu.dma_semaphore, #tpu.memory_space<semaphore_mem>>)
      %add3A_86 = arith.constant 2 : i32
      %add3A_87 = arith.addi %mul3A_65, %add3A_86 : i32
      %dma_start3A_88 = arith.constant 0 : i32
      %dma_start3A_89 = tpu.memref_slice %arg4[%add3A, %add3A_87, %dma_start3A_88] : memref<32x80x128xi32, #tpu.memory_space<hbm>> -> memref<1x1x128xi32, #tpu.memory_space<hbm>>
      %dma_start3A_90 = tpu.memref_squeeze %dma_start3A_89 : memref<1x1x128xi32, #tpu.memory_space<hbm>> -> memref<128xi32, #tpu.memory_space<hbm>>
      %dma_start3A_91 = arith.constant 0 : i32
      %dma_start3A_92 = tpu.memref_slice %arg4[%add3A, %add3A_87, %dma_start3A_91] : memref<32x80x128xi32, #tpu.memory_space<hbm>> -> memref<1x1x128xi32, #tpu.memory_space<hbm>>
      %dma_start3A_93 = tpu.memref_squeeze %dma_start3A_92 : memref<1x1x128xi32, #tpu.memory_space<hbm>> -> memref<128xi32, #tpu.memory_space<hbm>>
      tpu.enqueue_dma source(%dma_start3A_93 : memref<128xi32, #tpu.memory_space<hbm>>) target(%arg8 : memref<128xi32, #tpu.memory_space<vmem>>) target_semaphore(%arg13 : memref<!tpu.dma_semaphore, #tpu.memory_space<semaphore_mem>>)
      %add3A_94 = arith.constant 1 : i32
      %add3A_95 = arith.addi %mul3A_65, %add3A_94 : i32
      %dma_wait3A_96 = arith.constant 0 : i32
      %dma_wait3A_97 = tpu.memref_slice %arg7[%add3A_95, %dma_wait3A_96] : memref<80x128xi32, #tpu.memory_space<vmem>> -> memref<1x128xi32, #tpu.memory_space<vmem>>
      %dma_wait3A_98 = tpu.memref_squeeze %dma_wait3A_97 : memref<1x128xi32, #tpu.memory_space<vmem>> -> memref<128xi32, #tpu.memory_space<vmem>>
      %dma_wait3A_99 = arith.constant 0 : i32
      %dma_wait3A_100 = arith.constant 0 : i32
      %dma_wait3A_101 = tpu.memref_slice %arg2[%dma_wait3A_99, %dma_wait3A_100] : memref<10240x128xf32, #tpu.memory_space<hbm>> -> memref<10240x128xf32, #tpu.memory_space<hbm>>
      tpu.wait_indirect_dma semaphore(%arg14 : memref<!tpu.dma_semaphore, #tpu.memory_space<semaphore_mem>>) src(%dma_wait3A_101 : memref<10240x128xf32, #tpu.memory_space<hbm>>) dst(%arg11 : memref<128x128xf32, #tpu.memory_space<vmem>>)
      %dma_wait3A_102 = arith.constant 0 : i32
      %dma_wait3A_103 = tpu.memref_slice %arg4[%add3A, %add3A_95, %dma_wait3A_102] : memref<32x80x128xi32, #tpu.memory_space<hbm>> -> memref<1x1x128xi32, #tpu.memory_space<hbm>>
      %dma_wait3A_104 = tpu.memref_squeeze %dma_wait3A_103 : memref<1x1x128xi32, #tpu.memory_space<hbm>> -> memref<128xi32, #tpu.memory_space<hbm>>
      %dma_wait3A_105 = arith.constant 0 : i32
      %dma_wait3A_106 = tpu.memref_slice %arg4[%add3A, %add3A_95, %dma_wait3A_105] : memref<32x80x128xi32, #tpu.memory_space<hbm>> -> memref<1x1x128xi32, #tpu.memory_space<hbm>>
      %dma_wait3A_107 = tpu.memref_squeeze %dma_wait3A_106 : memref<1x1x128xi32, #tpu.memory_space<hbm>> -> memref<128xi32, #tpu.memory_space<hbm>>
      tpu.wait_dma2 semaphore(%arg14 : memref<!tpu.dma_semaphore, #tpu.memory_space<semaphore_mem>>) src(%dma_wait3A_107 : memref<128xi32, #tpu.memory_space<hbm>>) dst(%arg9 : memref<128xi32, #tpu.memory_space<vmem>>)
      "tpu.region"() ({
        %run_scoped3A = tpu.sem_alloc : memref<!tpu.dma_semaphore, #tpu.memory_space<semaphore_mem>>
        %dma_start3A_124 = arith.constant 0 : i32
        %dma_start3A_125 = arith.constant 0 : i32
        %dma_start3A_126 = tpu.memref_slice %arg12[%dma_start3A_124, %dma_start3A_125] : memref<10240x128xf32, #tpu.memory_space<vmem_shared>> -> memref<10240x128xf32, #tpu.memory_space<vmem_shared>>
        tpu.enqueue_indirect_dma source(%arg11 : memref<128x128xf32, #tpu.memory_space<vmem>>) target(%dma_start3A_126 : memref<10240x128xf32, #tpu.memory_space<vmem_shared>>) offsets(%arg9 : memref<128xi32, #tpu.memory_space<vmem>>) semaphore(%run_scoped3A : memref<!tpu.dma_semaphore, #tpu.memory_space<semaphore_mem>>) {add = true}
        %dma_wait3A_127 = arith.constant 0 : i32
        %dma_wait3A_128 = arith.constant 0 : i32
        %dma_wait3A_129 = tpu.memref_slice %arg12[%dma_wait3A_127, %dma_wait3A_128] : memref<10240x128xf32, #tpu.memory_space<vmem_shared>> -> memref<10240x128xf32, #tpu.memory_space<vmem_shared>>
        tpu.wait_indirect_dma semaphore(%run_scoped3A : memref<!tpu.dma_semaphore, #tpu.memory_space<semaphore_mem>>) src(%arg11 : memref<128x128xf32, #tpu.memory_space<vmem>>) dst(%dma_wait3A_129 : memref<10240x128xf32, #tpu.memory_space<vmem_shared>>)
        tpu.yield
      }) : () -> ()
      %add3A_108 = arith.constant 3 : i32
      %add3A_109 = arith.addi %mul3A_65, %add3A_108 : i32
      %dma_start3A_110 = arith.constant 0 : i32
      %dma_start3A_111 = tpu.memref_slice %arg7[%add3A_109, %dma_start3A_110] : memref<80x128xi32, #tpu.memory_space<vmem>> -> memref<1x128xi32, #tpu.memory_space<vmem>>
      %dma_start3A_112 = tpu.memref_squeeze %dma_start3A_111 : memref<1x128xi32, #tpu.memory_space<vmem>> -> memref<128xi32, #tpu.memory_space<vmem>>
      %dma_start3A_113 = arith.constant 0 : i32
      %dma_start3A_114 = arith.constant 0 : i32
      %dma_start3A_115 = tpu.memref_slice %arg2[%dma_start3A_113, %dma_start3A_114] : memref<10240x128xf32, #tpu.memory_space<hbm>> -> memref<10240x128xf32, #tpu.memory_space<hbm>>
      tpu.enqueue_indirect_dma source(%dma_start3A_115 : memref<10240x128xf32, #tpu.memory_space<hbm>>) target(%arg11 : memref<128x128xf32, #tpu.memory_space<vmem>>) offsets(%dma_start3A_112 : memref<128xi32, #tpu.memory_space<vmem>>) semaphore(%arg14 : memref<!tpu.dma_semaphore, #tpu.memory_space<semaphore_mem>>)
      %add3A_116 = arith.constant 3 : i32
      %add3A_117 = arith.addi %mul3A_65, %add3A_116 : i32
      %dma_start3A_118 = arith.constant 0 : i32
      %dma_start3A_119 = tpu.memref_slice %arg4[%add3A, %add3A_117, %dma_start3A_118] : memref<32x80x128xi32, #tpu.memory_space<hbm>> -> memref<1x1x128xi32, #tpu.memory_space<hbm>>
      %dma_start3A_120 = tpu.memref_squeeze %dma_start3A_119 : memref<1x1x128xi32, #tpu.memory_space<hbm>> -> memref<128xi32, #tpu.memory_space<hbm>>
      %dma_start3A_121 = arith.constant 0 : i32
      %dma_start3A_122 = tpu.memref_slice %arg4[%add3A, %add3A_117, %dma_start3A_121] : memref<32x80x128xi32, #tpu.memory_space<hbm>> -> memref<1x1x128xi32, #tpu.memory_space<hbm>>
      %dma_start3A_123 = tpu.memref_squeeze %dma_start3A_122 : memref<1x1x128xi32, #tpu.memory_space<hbm>> -> memref<128xi32, #tpu.memory_space<hbm>>
      tpu.enqueue_dma source(%dma_start3A_123 : memref<128xi32, #tpu.memory_space<hbm>>) target(%arg9 : memref<128xi32, #tpu.memory_space<vmem>>) target_semaphore(%arg14 : memref<!tpu.dma_semaphore, #tpu.memory_space<semaphore_mem>>)
    }
    %scan3A_34 = arith.constant 39 : i32
    %dma_wait3A = arith.constant 78 : i32
    %dma_wait3A_35 = arith.constant 0 : i32
    %dma_wait3A_36 = tpu.memref_slice %arg7[%dma_wait3A, %dma_wait3A_35] : memref<80x128xi32, #tpu.memory_space<vmem>> -> memref<1x128xi32, #tpu.memory_space<vmem>>
    %dma_wait3A_37 = tpu.memref_squeeze %dma_wait3A_36 : memref<1x128xi32, #tpu.memory_space<vmem>> -> memref<128xi32, #tpu.memory_space<vmem>>
    %dma_wait3A_38 = arith.constant 0 : i32
    %dma_wait3A_39 = arith.constant 0 : i32
    %dma_wait3A_40 = tpu.memref_slice %arg2[%dma_wait3A_38, %dma_wait3A_39] : memref<10240x128xf32, #tpu.memory_space<hbm>> -> memref<10240x128xf32, #tpu.memory_space<hbm>>
    tpu.wait_indirect_dma semaphore(%arg13 : memref<!tpu.dma_semaphore, #tpu.memory_space<semaphore_mem>>) src(%dma_wait3A_40 : memref<10240x128xf32, #tpu.memory_space<hbm>>) dst(%arg10 : memref<128x128xf32, #tpu.memory_space<vmem>>)
    %dma_wait3A_41 = arith.constant 78 : i32
    %dma_wait3A_42 = arith.constant 0 : i32
    %dma_wait3A_43 = tpu.memref_slice %arg4[%add3A, %dma_wait3A_41, %dma_wait3A_42] : memref<32x80x128xi32, #tpu.memory_space<hbm>> -> memref<1x1x128xi32, #tpu.memory_space<hbm>>
    %dma_wait3A_44 = tpu.memref_squeeze %dma_wait3A_43 : memref<1x1x128xi32, #tpu.memory_space<hbm>> -> memref<128xi32, #tpu.memory_space<hbm>>
    %dma_wait3A_45 = arith.constant 0 : i32
    %dma_wait3A_46 = tpu.memref_slice %arg4[%add3A, %dma_wait3A_41, %dma_wait3A_45] : memref<32x80x128xi32, #tpu.memory_space<hbm>> -> memref<1x1x128xi32, #tpu.memory_space<hbm>>
    %dma_wait3A_47 = tpu.memref_squeeze %dma_wait3A_46 : memref<1x1x128xi32, #tpu.memory_space<hbm>> -> memref<128xi32, #tpu.memory_space<hbm>>
    tpu.wait_dma2 semaphore(%arg13 : memref<!tpu.dma_semaphore, #tpu.memory_space<semaphore_mem>>) src(%dma_wait3A_47 : memref<128xi32, #tpu.memory_space<hbm>>) dst(%arg8 : memref<128xi32, #tpu.memory_space<vmem>>)
    "tpu.region"() ({
      %run_scoped3A = tpu.sem_alloc : memref<!tpu.dma_semaphore, #tpu.memory_space<semaphore_mem>>
      %dma_start3A_63 = arith.constant 0 : i32
      %dma_start3A_64 = arith.constant 0 : i32
      %dma_start3A_65 = tpu.memref_slice %arg12[%dma_start3A_63, %dma_start3A_64] : memref<10240x128xf32, #tpu.memory_space<vmem_shared>> -> memref<10240x128xf32, #tpu.memory_space<vmem_shared>>
      tpu.enqueue_indirect_dma source(%arg10 : memref<128x128xf32, #tpu.memory_space<vmem>>) target(%dma_start3A_65 : memref<10240x128xf32, #tpu.memory_space<vmem_shared>>) offsets(%arg8 : memref<128xi32, #tpu.memory_space<vmem>>) semaphore(%run_scoped3A : memref<!tpu.dma_semaphore, #tpu.memory_space<semaphore_mem>>) {add = true}
      %dma_wait3A_66 = arith.constant 0 : i32
      %dma_wait3A_67 = arith.constant 0 : i32
      %dma_wait3A_68 = tpu.memref_slice %arg12[%dma_wait3A_66, %dma_wait3A_67] : memref<10240x128xf32, #tpu.memory_space<vmem_shared>> -> memref<10240x128xf32, #tpu.memory_space<vmem_shared>>
      tpu.wait_indirect_dma semaphore(%run_scoped3A : memref<!tpu.dma_semaphore, #tpu.memory_space<semaphore_mem>>) src(%arg10 : memref<128x128xf32, #tpu.memory_space<vmem>>) dst(%dma_wait3A_68 : memref<10240x128xf32, #tpu.memory_space<vmem_shared>>)
      tpu.yield
    }) : () -> ()
    %dma_wait3A_48 = arith.constant 79 : i32
    %dma_wait3A_49 = arith.constant 0 : i32
    %dma_wait3A_50 = tpu.memref_slice %arg7[%dma_wait3A_48, %dma_wait3A_49] : memref<80x128xi32, #tpu.memory_space<vmem>> -> memref<1x128xi32, #tpu.memory_space<vmem>>
    %dma_wait3A_51 = tpu.memref_squeeze %dma_wait3A_50 : memref<1x128xi32, #tpu.memory_space<vmem>> -> memref<128xi32, #tpu.memory_space<vmem>>
    %dma_wait3A_52 = arith.constant 0 : i32
    %dma_wait3A_53 = arith.constant 0 : i32
    %dma_wait3A_54 = tpu.memref_slice %arg2[%dma_wait3A_52, %dma_wait3A_53] : memref<10240x128xf32, #tpu.memory_space<hbm>> -> memref<10240x128xf32, #tpu.memory_space<hbm>>
    tpu.wait_indirect_dma semaphore(%arg14 : memref<!tpu.dma_semaphore, #tpu.memory_space<semaphore_mem>>) src(%dma_wait3A_54 : memref<10240x128xf32, #tpu.memory_space<hbm>>) dst(%arg11 : memref<128x128xf32, #tpu.memory_space<vmem>>)
    %dma_wait3A_55 = arith.constant 79 : i32
    %dma_wait3A_56 = arith.constant 0 : i32
    %dma_wait3A_57 = tpu.memref_slice %arg4[%add3A, %dma_wait3A_55, %dma_wait3A_56] : memref<32x80x128xi32, #tpu.memory_space<hbm>> -> memref<1x1x128xi32, #tpu.memory_space<hbm>>
    %dma_wait3A_58 = tpu.memref_squeeze %dma_wait3A_57 : memref<1x1x128xi32, #tpu.memory_space<hbm>> -> memref<128xi32, #tpu.memory_space<hbm>>
    %dma_wait3A_59 = arith.constant 0 : i32
    %dma_wait3A_60 = tpu.memref_slice %arg4[%add3A, %dma_wait3A_55, %dma_wait3A_59] : memref<32x80x128xi32, #tpu.memory_space<hbm>> -> memref<1x1x128xi32, #tpu.memory_space<hbm>>
    %dma_wait3A_61 = tpu.memref_squeeze %dma_wait3A_60 : memref<1x1x128xi32, #tpu.memory_space<hbm>> -> memref<128xi32, #tpu.memory_space<hbm>>
    tpu.wait_dma2 semaphore(%arg14 : memref<!tpu.dma_semaphore, #tpu.memory_space<semaphore_mem>>) src(%dma_wait3A_61 : memref<128xi32, #tpu.memory_space<hbm>>) dst(%arg9 : memref<128xi32, #tpu.memory_space<vmem>>)
    "tpu.region"() ({
      %run_scoped3A = tpu.sem_alloc : memref<!tpu.dma_semaphore, #tpu.memory_space<semaphore_mem>>
      %dma_start3A_63 = arith.constant 0 : i32
      %dma_start3A_64 = arith.constant 0 : i32
      %dma_start3A_65 = tpu.memref_slice %arg12[%dma_start3A_63, %dma_start3A_64] : memref<10240x128xf32, #tpu.memory_space<vmem_shared>> -> memref<10240x128xf32, #tpu.memory_space<vmem_shared>>
      tpu.enqueue_indirect_dma source(%arg11 : memref<128x128xf32, #tpu.memory_space<vmem>>) target(%dma_start3A_65 : memref<10240x128xf32, #tpu.memory_space<vmem_shared>>) offsets(%arg9 : memref<128xi32, #tpu.memory_space<vmem>>) semaphore(%run_scoped3A : memref<!tpu.dma_semaphore, #tpu.memory_space<semaphore_mem>>) {add = true}
      %dma_wait3A_66 = arith.constant 0 : i32
      %dma_wait3A_67 = arith.constant 0 : i32
      %dma_wait3A_68 = tpu.memref_slice %arg12[%dma_wait3A_66, %dma_wait3A_67] : memref<10240x128xf32, #tpu.memory_space<vmem_shared>> -> memref<10240x128xf32, #tpu.memory_space<vmem_shared>>
      tpu.wait_indirect_dma semaphore(%run_scoped3A : memref<!tpu.dma_semaphore, #tpu.memory_space<semaphore_mem>>) src(%arg11 : memref<128x128xf32, #tpu.memory_space<vmem>>) dst(%dma_wait3A_68 : memref<10240x128xf32, #tpu.memory_space<vmem_shared>>)
      tpu.yield
    }) : () -> ()
    %barrier3A_62 = arith.constant 0 : index
    tpu.barrier barrier_id(%barrier3A_62)
    "tpu.region"() ({
      %run_scoped3A = tpu.sem_alloc : memref<!tpu.dma_semaphore, #tpu.memory_space<semaphore_mem>>
      %dma_start3A_63 = arith.constant 0 : i32
      %dma_start3A_64 = tpu.memref_slice %arg6[%arg0, %mul3A_2, %dma_start3A_63] : memref<2x10240x128xf32, #tpu.memory_space<hbm>> -> memref<1x640x128xf32, #tpu.memory_space<hbm>>
      %dma_start3A_65 = tpu.memref_squeeze %dma_start3A_64 : memref<1x640x128xf32, #tpu.memory_space<hbm>> -> memref<640x128xf32, #tpu.memory_space<hbm>>
      %dma_start3A_66 = arith.constant 0 : i32
      %dma_start3A_67 = tpu.memref_slice %arg12[%mul3A_2, %dma_start3A_66] : memref<10240x128xf32, #tpu.memory_space<vmem_shared>> -> memref<640x128xf32, #tpu.memory_space<vmem_shared>>
      tpu.enqueue_dma source(%dma_start3A_67 : memref<640x128xf32, #tpu.memory_space<vmem_shared>>) target(%dma_start3A_65 : memref<640x128xf32, #tpu.memory_space<hbm>>) target_semaphore(%run_scoped3A : memref<!tpu.dma_semaphore, #tpu.memory_space<semaphore_mem>>)
      %dma_wait3A_68 = arith.constant 0 : i32
      %dma_wait3A_69 = tpu.memref_slice %arg6[%arg0, %mul3A_2, %dma_wait3A_68] : memref<2x10240x128xf32, #tpu.memory_space<hbm>> -> memref<1x640x128xf32, #tpu.memory_space<hbm>>
      %dma_wait3A_70 = tpu.memref_squeeze %dma_wait3A_69 : memref<1x640x128xf32, #tpu.memory_space<hbm>> -> memref<640x128xf32, #tpu.memory_space<hbm>>
      %dma_wait3A_71 = arith.constant 0 : i32
      %dma_wait3A_72 = tpu.memref_slice %arg12[%mul3A_2, %dma_wait3A_71] : memref<10240x128xf32, #tpu.memory_space<vmem_shared>> -> memref<640x128xf32, #tpu.memory_space<vmem_shared>>
      tpu.wait_dma2 semaphore(%run_scoped3A : memref<!tpu.dma_semaphore, #tpu.memory_space<semaphore_mem>>) src(%dma_wait3A_72 : memref<640x128xf32, #tpu.memory_space<vmem_shared>>) dst(%dma_wait3A_70 : memref<640x128xf32, #tpu.memory_space<hbm>>)
      tpu.yield
    }) : () -> ()
    return
  }
}

#map = affine_map<(d0, d1) -> (0, 0, 0)>
#map1 = affine_map<(d0, d1) -> (0)>
#map2 = affine_map<(d0, d1) -> (0, 0)>
module attributes {stable_mosaic.version = 14 : i64} {
  func.func @_sc_degree(%arg0: i32, %arg1: i32, %arg2: memref<32x80x128xi32, #tpu.memory_space<hbm>>, %arg3: memref<10240xf32, #tpu.memory_space<hbm>>, %arg4: memref<128xf32, #tpu.memory_space<hbm>>, %arg5: memref<2x10240xf32, #tpu.memory_space<hbm>>, %arg6: memref<80x128xi32, #tpu.memory_space<vmem>>, %arg7: memref<128xf32, #tpu.memory_space<vmem>>, %arg8: memref<10240xf32, #tpu.memory_space<vmem_shared>>, %arg9: memref<!tpu.dma_semaphore, #tpu.memory_space<semaphore_mem>>) attributes {dimension_semantics = [#tpu.dimension_semantics<core_parallel>, #tpu.dimension_semantics<subcore_parallel>], iteration_bounds = array<i64: 2, 16>, scalar_prefetch = 0 : i64, scratch_operands = 4 : i64, tpu.core_type = #tpu.core_type<sc_vector_subcore>, window_params = [{transform_indices = #map}, {transform_indices = #map1}, {transform_indices = #map1}, {transform_indices = #map2}]} {
    %mul3A = arith.constant 2 : i32
    %mul3A_0 = arith.muli %arg1, %mul3A : i32
    %add3A = arith.addi %mul3A_0, %arg0 : i32
    %mul3A_1 = arith.constant 640 : i32
    %mul3A_2 = arith.muli %arg1, %mul3A_1 : i32
    "tpu.region"() ({
      %run_scoped3A = tpu.sem_alloc : memref<!tpu.dma_semaphore, #tpu.memory_space<semaphore_mem>>
      %dma_start3A = tpu.memref_slice %arg8[%mul3A_2] : memref<10240xf32, #tpu.memory_space<vmem_shared>> -> memref<640xf32, #tpu.memory_space<vmem_shared>>
      %dma_start3A_9 = tpu.memref_slice %arg3[%mul3A_2] : memref<10240xf32, #tpu.memory_space<hbm>> -> memref<640xf32, #tpu.memory_space<hbm>>
      tpu.enqueue_dma source(%dma_start3A_9 : memref<640xf32, #tpu.memory_space<hbm>>) target(%dma_start3A : memref<640xf32, #tpu.memory_space<vmem_shared>>) target_semaphore(%run_scoped3A : memref<!tpu.dma_semaphore, #tpu.memory_space<semaphore_mem>>)
      %dma_wait3A = tpu.memref_slice %arg8[%mul3A_2] : memref<10240xf32, #tpu.memory_space<vmem_shared>> -> memref<640xf32, #tpu.memory_space<vmem_shared>>
      %dma_wait3A_10 = tpu.memref_slice %arg3[%mul3A_2] : memref<10240xf32, #tpu.memory_space<hbm>> -> memref<640xf32, #tpu.memory_space<hbm>>
      tpu.wait_dma2 semaphore(%run_scoped3A : memref<!tpu.dma_semaphore, #tpu.memory_space<semaphore_mem>>) src(%dma_wait3A_10 : memref<640xf32, #tpu.memory_space<hbm>>) dst(%dma_wait3A : memref<640xf32, #tpu.memory_space<vmem_shared>>)
      tpu.yield
    }) : () -> ()
    "tpu.region"() ({
      %run_scoped3A = tpu.sem_alloc : memref<!tpu.dma_semaphore, #tpu.memory_space<semaphore_mem>>
      %dma_start3A = arith.constant 0 : i32
      %dma_start3A_9 = arith.constant 0 : i32
      %dma_start3A_10 = tpu.memref_slice %arg2[%add3A, %dma_start3A, %dma_start3A_9] : memref<32x80x128xi32, #tpu.memory_space<hbm>> -> memref<1x80x128xi32, #tpu.memory_space<hbm>>
      %dma_start3A_11 = tpu.memref_squeeze %dma_start3A_10 : memref<1x80x128xi32, #tpu.memory_space<hbm>> -> memref<80x128xi32, #tpu.memory_space<hbm>>
      %dma_start3A_12 = arith.constant 0 : i32
      %dma_start3A_13 = arith.constant 0 : i32
      %dma_start3A_14 = tpu.memref_slice %arg2[%add3A, %dma_start3A_12, %dma_start3A_13] : memref<32x80x128xi32, #tpu.memory_space<hbm>> -> memref<1x80x128xi32, #tpu.memory_space<hbm>>
      %dma_start3A_15 = tpu.memref_squeeze %dma_start3A_14 : memref<1x80x128xi32, #tpu.memory_space<hbm>> -> memref<80x128xi32, #tpu.memory_space<hbm>>
      tpu.enqueue_dma source(%dma_start3A_15 : memref<80x128xi32, #tpu.memory_space<hbm>>) target(%arg6 : memref<80x128xi32, #tpu.memory_space<vmem>>) target_semaphore(%run_scoped3A : memref<!tpu.dma_semaphore, #tpu.memory_space<semaphore_mem>>)
      %dma_wait3A = arith.constant 0 : i32
      %dma_wait3A_16 = arith.constant 0 : i32
      %dma_wait3A_17 = tpu.memref_slice %arg2[%add3A, %dma_wait3A, %dma_wait3A_16] : memref<32x80x128xi32, #tpu.memory_space<hbm>> -> memref<1x80x128xi32, #tpu.memory_space<hbm>>
      %dma_wait3A_18 = tpu.memref_squeeze %dma_wait3A_17 : memref<1x80x128xi32, #tpu.memory_space<hbm>> -> memref<80x128xi32, #tpu.memory_space<hbm>>
      %dma_wait3A_19 = arith.constant 0 : i32
      %dma_wait3A_20 = arith.constant 0 : i32
      %dma_wait3A_21 = tpu.memref_slice %arg2[%add3A, %dma_wait3A_19, %dma_wait3A_20] : memref<32x80x128xi32, #tpu.memory_space<hbm>> -> memref<1x80x128xi32, #tpu.memory_space<hbm>>
      %dma_wait3A_22 = tpu.memref_squeeze %dma_wait3A_21 : memref<1x80x128xi32, #tpu.memory_space<hbm>> -> memref<80x128xi32, #tpu.memory_space<hbm>>
      tpu.wait_dma2 semaphore(%run_scoped3A : memref<!tpu.dma_semaphore, #tpu.memory_space<semaphore_mem>>) src(%dma_wait3A_22 : memref<80x128xi32, #tpu.memory_space<hbm>>) dst(%arg6 : memref<80x128xi32, #tpu.memory_space<vmem>>)
      tpu.yield
    }) : () -> ()
    "tpu.region"() ({
      %run_scoped3A = tpu.sem_alloc : memref<!tpu.dma_semaphore, #tpu.memory_space<semaphore_mem>>
      tpu.enqueue_dma source(%arg4 : memref<128xf32, #tpu.memory_space<hbm>>) target(%arg7 : memref<128xf32, #tpu.memory_space<vmem>>) target_semaphore(%run_scoped3A : memref<!tpu.dma_semaphore, #tpu.memory_space<semaphore_mem>>)
      tpu.wait_dma2 semaphore(%run_scoped3A : memref<!tpu.dma_semaphore, #tpu.memory_space<semaphore_mem>>) src(%arg4 : memref<128xf32, #tpu.memory_space<hbm>>) dst(%arg7 : memref<128xf32, #tpu.memory_space<vmem>>)
      tpu.yield
    }) : () -> ()
    %barrier3A = arith.constant 0 : index
    tpu.barrier barrier_id(%barrier3A)
    %scan3A = arith.constant 0 : i32
    %scan3A_3 = arith.constant 0 : i32
    %scan3A_4 = arith.constant 80 : i32
    %scan3A_5 = arith.addi %scan3A_3, %scan3A_4 : i32
    %scan3A_6 = arith.constant 1 : i32
    scf.for %scan3A_9 = %scan3A_3 to %scan3A_5 step %scan3A_6  : i32 {
      "tpu.region"() ({
        %run_scoped3A = tpu.sem_alloc : memref<!tpu.dma_semaphore, #tpu.memory_space<semaphore_mem>>
        %dma_start3A = arith.constant 0 : i32
        %dma_start3A_10 = tpu.memref_slice %arg6[%scan3A_9, %dma_start3A] : memref<80x128xi32, #tpu.memory_space<vmem>> -> memref<1x128xi32, #tpu.memory_space<vmem>>
        %dma_start3A_11 = tpu.memref_squeeze %dma_start3A_10 : memref<1x128xi32, #tpu.memory_space<vmem>> -> memref<128xi32, #tpu.memory_space<vmem>>
        %dma_start3A_12 = arith.constant 0 : i32
        %dma_start3A_13 = tpu.memref_slice %arg8[%dma_start3A_12] : memref<10240xf32, #tpu.memory_space<vmem_shared>> -> memref<10240xf32, #tpu.memory_space<vmem_shared>>
        tpu.enqueue_indirect_dma source(%arg7 : memref<128xf32, #tpu.memory_space<vmem>>) target(%dma_start3A_13 : memref<10240xf32, #tpu.memory_space<vmem_shared>>) offsets(%dma_start3A_11 : memref<128xi32, #tpu.memory_space<vmem>>) semaphore(%run_scoped3A : memref<!tpu.dma_semaphore, #tpu.memory_space<semaphore_mem>>) {add = true}
        %dma_wait3A = arith.constant 0 : i32
        %dma_wait3A_14 = tpu.memref_slice %arg6[%scan3A_9, %dma_wait3A] : memref<80x128xi32, #tpu.memory_space<vmem>> -> memref<1x128xi32, #tpu.memory_space<vmem>>
        %dma_wait3A_15 = tpu.memref_squeeze %dma_wait3A_14 : memref<1x128xi32, #tpu.memory_space<vmem>> -> memref<128xi32, #tpu.memory_space<vmem>>
        %dma_wait3A_16 = arith.constant 0 : i32
        %dma_wait3A_17 = tpu.memref_slice %arg8[%dma_wait3A_16] : memref<10240xf32, #tpu.memory_space<vmem_shared>> -> memref<10240xf32, #tpu.memory_space<vmem_shared>>
        tpu.wait_indirect_dma semaphore(%run_scoped3A : memref<!tpu.dma_semaphore, #tpu.memory_space<semaphore_mem>>) src(%arg7 : memref<128xf32, #tpu.memory_space<vmem>>) dst(%dma_wait3A_17 : memref<10240xf32, #tpu.memory_space<vmem_shared>>)
        tpu.yield
      }) : () -> ()
    }
    %scan3A_7 = arith.constant 80 : i32
    %barrier3A_8 = arith.constant 0 : index
    tpu.barrier barrier_id(%barrier3A_8)
    "tpu.region"() ({
      %run_scoped3A = tpu.sem_alloc : memref<!tpu.dma_semaphore, #tpu.memory_space<semaphore_mem>>
      %dma_start3A = tpu.memref_slice %arg5[%arg0, %mul3A_2] : memref<2x10240xf32, #tpu.memory_space<hbm>> -> memref<1x640xf32, #tpu.memory_space<hbm>>
      %dma_start3A_9 = tpu.memref_squeeze %dma_start3A : memref<1x640xf32, #tpu.memory_space<hbm>> -> memref<640xf32, #tpu.memory_space<hbm>>
      %dma_start3A_10 = tpu.memref_slice %arg8[%mul3A_2] : memref<10240xf32, #tpu.memory_space<vmem_shared>> -> memref<640xf32, #tpu.memory_space<vmem_shared>>
      tpu.enqueue_dma source(%dma_start3A_10 : memref<640xf32, #tpu.memory_space<vmem_shared>>) target(%dma_start3A_9 : memref<640xf32, #tpu.memory_space<hbm>>) target_semaphore(%run_scoped3A : memref<!tpu.dma_semaphore, #tpu.memory_space<semaphore_mem>>)
      %dma_wait3A = tpu.memref_slice %arg5[%arg0, %mul3A_2] : memref<2x10240xf32, #tpu.memory_space<hbm>> -> memref<1x640xf32, #tpu.memory_space<hbm>>
      %dma_wait3A_11 = tpu.memref_squeeze %dma_wait3A : memref<1x640xf32, #tpu.memory_space<hbm>> -> memref<640xf32, #tpu.memory_space<hbm>>
      %dma_wait3A_12 = tpu.memref_slice %arg8[%mul3A_2] : memref<10240xf32, #tpu.memory_space<vmem_shared>> -> memref<640xf32, #tpu.memory_space<vmem_shared>>
      tpu.wait_dma2 semaphore(%run_scoped3A : memref<!tpu.dma_semaphore, #tpu.memory_space<semaphore_mem>>) src(%dma_wait3A_12 : memref<640xf32, #tpu.memory_space<vmem_shared>>) dst(%dma_wait3A_11 : memref<640xf32, #tpu.memory_space<hbm>>)
      tpu.yield
    }) : () -> ()
    return
  }
}

#map = affine_map<(d0, d1) -> (0, 0)>
#map1 = affine_map<(d0, d1) -> (0, 0, 0)>
module attributes {stable_mosaic.version = 14 : i64} {
  func.func @_sc_scatter(%arg0: i32, %arg1: i32, %arg2: memref<10240x128xf32, #tpu.memory_space<hbm>>, %arg3: memref<32x80x128xi32, #tpu.memory_space<hbm>>, %arg4: memref<32x80x128xi32, #tpu.memory_space<hbm>>, %arg5: memref<10240x128xf32, #tpu.memory_space<hbm>>, %arg6: memref<2x10240x128xf32, #tpu.memory_space<hbm>>, %arg7: memref<80x128xi32, #tpu.memory_space<vmem>>, %arg8: memref<128xi32, #tpu.memory_space<vmem>>, %arg9: memref<128xi32, #tpu.memory_space<vmem>>, %arg10: memref<128x128xf32, #tpu.memory_space<vmem>>, %arg11: memref<128x128xf32, #tpu.memory_space<vmem>>, %arg12: memref<10240x128xf32, #tpu.memory_space<vmem_shared>>, %arg13: memref<!tpu.dma_semaphore, #tpu.memory_space<semaphore_mem>>, %arg14: memref<!tpu.dma_semaphore, #tpu.memory_space<semaphore_mem>>) attributes {dimension_semantics = [#tpu.dimension_semantics<core_parallel>, #tpu.dimension_semantics<subcore_parallel>], iteration_bounds = array<i64: 2, 16>, scalar_prefetch = 0 : i64, scratch_operands = 8 : i64, tpu.core_type = #tpu.core_type<sc_vector_subcore>, window_params = [{transform_indices = #map}, {transform_indices = #map1}, {transform_indices = #map1}, {transform_indices = #map}, {transform_indices = #map1}]} {
    %mul3A = arith.constant 2 : i32
    %mul3A_0 = arith.muli %arg1, %mul3A : i32
    %add3A = arith.addi %mul3A_0, %arg0 : i32
    %mul3A_1 = arith.constant 640 : i32
    %mul3A_2 = arith.muli %arg1, %mul3A_1 : i32
    "tpu.region"() ({
      %run_scoped3A = tpu.sem_alloc : memref<!tpu.dma_semaphore, #tpu.memory_space<semaphore_mem>>
      %dma_start3A_63 = arith.constant 0 : i32
      %dma_start3A_64 = tpu.memref_slice %arg12[%mul3A_2, %dma_start3A_63] : memref<10240x128xf32, #tpu.memory_space<vmem_shared>> -> memref<640x128xf32, #tpu.memory_space<vmem_shared>>
      %dma_start3A_65 = arith.constant 0 : i32
      %dma_start3A_66 = tpu.memref_slice %arg5[%mul3A_2, %dma_start3A_65] : memref<10240x128xf32, #tpu.memory_space<hbm>> -> memref<640x128xf32, #tpu.memory_space<hbm>>
      tpu.enqueue_dma source(%dma_start3A_66 : memref<640x128xf32, #tpu.memory_space<hbm>>) target(%dma_start3A_64 : memref<640x128xf32, #tpu.memory_space<vmem_shared>>) target_semaphore(%run_scoped3A : memref<!tpu.dma_semaphore, #tpu.memory_space<semaphore_mem>>)
      %dma_wait3A_67 = arith.constant 0 : i32
      %dma_wait3A_68 = tpu.memref_slice %arg12[%mul3A_2, %dma_wait3A_67] : memref<10240x128xf32, #tpu.memory_space<vmem_shared>> -> memref<640x128xf32, #tpu.memory_space<vmem_shared>>
      %dma_wait3A_69 = arith.constant 0 : i32
      %dma_wait3A_70 = tpu.memref_slice %arg5[%mul3A_2, %dma_wait3A_69] : memref<10240x128xf32, #tpu.memory_space<hbm>> -> memref<640x128xf32, #tpu.memory_space<hbm>>
      tpu.wait_dma2 semaphore(%run_scoped3A : memref<!tpu.dma_semaphore, #tpu.memory_space<semaphore_mem>>) src(%dma_wait3A_70 : memref<640x128xf32, #tpu.memory_space<hbm>>) dst(%dma_wait3A_68 : memref<640x128xf32, #tpu.memory_space<vmem_shared>>)
      tpu.yield
    }) : () -> ()
    "tpu.region"() ({
      %run_scoped3A = tpu.sem_alloc : memref<!tpu.dma_semaphore, #tpu.memory_space<semaphore_mem>>
      %dma_start3A_63 = arith.constant 0 : i32
      %dma_start3A_64 = arith.constant 0 : i32
      %dma_start3A_65 = tpu.memref_slice %arg3[%add3A, %dma_start3A_63, %dma_start3A_64] : memref<32x80x128xi32, #tpu.memory_space<hbm>> -> memref<1x80x128xi32, #tpu.memory_space<hbm>>
      %dma_start3A_66 = tpu.memref_squeeze %dma_start3A_65 : memref<1x80x128xi32, #tpu.memory_space<hbm>> -> memref<80x128xi32, #tpu.memory_space<hbm>>
      %dma_start3A_67 = arith.constant 0 : i32
      %dma_start3A_68 = arith.constant 0 : i32
      %dma_start3A_69 = tpu.memref_slice %arg3[%add3A, %dma_start3A_67, %dma_start3A_68] : memref<32x80x128xi32, #tpu.memory_space<hbm>> -> memref<1x80x128xi32, #tpu.memory_space<hbm>>
      %dma_start3A_70 = tpu.memref_squeeze %dma_start3A_69 : memref<1x80x128xi32, #tpu.memory_space<hbm>> -> memref<80x128xi32, #tpu.memory_space<hbm>>
      tpu.enqueue_dma source(%dma_start3A_70 : memref<80x128xi32, #tpu.memory_space<hbm>>) target(%arg7 : memref<80x128xi32, #tpu.memory_space<vmem>>) target_semaphore(%run_scoped3A : memref<!tpu.dma_semaphore, #tpu.memory_space<semaphore_mem>>)
      %dma_wait3A_71 = arith.constant 0 : i32
      %dma_wait3A_72 = arith.constant 0 : i32
      %dma_wait3A_73 = tpu.memref_slice %arg3[%add3A, %dma_wait3A_71, %dma_wait3A_72] : memref<32x80x128xi32, #tpu.memory_space<hbm>> -> memref<1x80x128xi32, #tpu.memory_space<hbm>>
      %dma_wait3A_74 = tpu.memref_squeeze %dma_wait3A_73 : memref<1x80x128xi32, #tpu.memory_space<hbm>> -> memref<80x128xi32, #tpu.memory_space<hbm>>
      %dma_wait3A_75 = arith.constant 0 : i32
      %dma_wait3A_76 = arith.constant 0 : i32
      %dma_wait3A_77 = tpu.memref_slice %arg3[%add3A, %dma_wait3A_75, %dma_wait3A_76] : memref<32x80x128xi32, #tpu.memory_space<hbm>> -> memref<1x80x128xi32, #tpu.memory_space<hbm>>
      %dma_wait3A_78 = tpu.memref_squeeze %dma_wait3A_77 : memref<1x80x128xi32, #tpu.memory_space<hbm>> -> memref<80x128xi32, #tpu.memory_space<hbm>>
      tpu.wait_dma2 semaphore(%run_scoped3A : memref<!tpu.dma_semaphore, #tpu.memory_space<semaphore_mem>>) src(%dma_wait3A_78 : memref<80x128xi32, #tpu.memory_space<hbm>>) dst(%arg7 : memref<80x128xi32, #tpu.memory_space<vmem>>)
      tpu.yield
    }) : () -> ()
    %barrier3A = arith.constant 0 : index
    tpu.barrier barrier_id(%barrier3A)
    %dma_start3A = arith.constant 0 : i32
    %dma_start3A_3 = arith.constant 0 : i32
    %dma_start3A_4 = tpu.memref_slice %arg7[%dma_start3A, %dma_start3A_3] : memref<80x128xi32, #tpu.memory_space<vmem>> -> memref<1x128xi32, #tpu.memory_space<vmem>>
    %dma_start3A_5 = tpu.memref_squeeze %dma_start3A_4 : memref<1x128xi32, #tpu.memory_space<vmem>> -> memref<128xi32, #tpu.memory_space<vmem>>
    %dma_start3A_6 = arith.constant 0 : i32
    %dma_start3A_7 = arith.constant 0 : i32
    %dma_start3A_8 = tpu.memref_slice %arg2[%dma_start3A_6, %dma_start3A_7] : memref<10240x128xf32, #tpu.memory_space<hbm>> -> memref<10240x128xf32, #tpu.memory_space<hbm>>
    tpu.enqueue_indirect_dma source(%dma_start3A_8 : memref<10240x128xf32, #tpu.memory_space<hbm>>) target(%arg10 : memref<128x128xf32, #tpu.memory_space<vmem>>) offsets(%dma_start3A_5 : memref<128xi32, #tpu.memory_space<vmem>>) semaphore(%arg13 : memref<!tpu.dma_semaphore, #tpu.memory_space<semaphore_mem>>)
    %dma_start3A_9 = arith.constant 0 : i32
    %dma_start3A_10 = arith.constant 0 : i32
    %dma_start3A_11 = tpu.memref_slice %arg4[%add3A, %dma_start3A_9, %dma_start3A_10] : memref<32x80x128xi32, #tpu.memory_space<hbm>> -> memref<1x1x128xi32, #tpu.memory_space<hbm>>
    %dma_start3A_12 = tpu.memref_squeeze %dma_start3A_11 : memref<1x1x128xi32, #tpu.memory_space<hbm>> -> memref<128xi32, #tpu.memory_space<hbm>>
    %dma_start3A_13 = arith.constant 0 : i32
    %dma_start3A_14 = tpu.memref_slice %arg4[%add3A, %dma_start3A_9, %dma_start3A_13] : memref<32x80x128xi32, #tpu.memory_space<hbm>> -> memref<1x1x128xi32, #tpu.memory_space<hbm>>
    %dma_start3A_15 = tpu.memref_squeeze %dma_start3A_14 : memref<1x1x128xi32, #tpu.memory_space<hbm>> -> memref<128xi32, #tpu.memory_space<hbm>>
    tpu.enqueue_dma source(%dma_start3A_15 : memref<128xi32, #tpu.memory_space<hbm>>) target(%arg8 : memref<128xi32, #tpu.memory_space<vmem>>) target_semaphore(%arg13 : memref<!tpu.dma_semaphore, #tpu.memory_space<semaphore_mem>>)
    %dma_start3A_16 = arith.constant 1 : i32
    %dma_start3A_17 = arith.constant 0 : i32
    %dma_start3A_18 = tpu.memref_slice %arg7[%dma_start3A_16, %dma_start3A_17] : memref<80x128xi32, #tpu.memory_space<vmem>> -> memref<1x128xi32, #tpu.memory_space<vmem>>
    %dma_start3A_19 = tpu.memref_squeeze %dma_start3A_18 : memref<1x128xi32, #tpu.memory_space<vmem>> -> memref<128xi32, #tpu.memory_space<vmem>>
    %dma_start3A_20 = arith.constant 0 : i32
    %dma_start3A_21 = arith.constant 0 : i32
    %dma_start3A_22 = tpu.memref_slice %arg2[%dma_start3A_20, %dma_start3A_21] : memref<10240x128xf32, #tpu.memory_space<hbm>> -> memref<10240x128xf32, #tpu.memory_space<hbm>>
    tpu.enqueue_indirect_dma source(%dma_start3A_22 : memref<10240x128xf32, #tpu.memory_space<hbm>>) target(%arg11 : memref<128x128xf32, #tpu.memory_space<vmem>>) offsets(%dma_start3A_19 : memref<128xi32, #tpu.memory_space<vmem>>) semaphore(%arg14 : memref<!tpu.dma_semaphore, #tpu.memory_space<semaphore_mem>>)
    %dma_start3A_23 = arith.constant 1 : i32
    %dma_start3A_24 = arith.constant 0 : i32
    %dma_start3A_25 = tpu.memref_slice %arg4[%add3A, %dma_start3A_23, %dma_start3A_24] : memref<32x80x128xi32, #tpu.memory_space<hbm>> -> memref<1x1x128xi32, #tpu.memory_space<hbm>>
    %dma_start3A_26 = tpu.memref_squeeze %dma_start3A_25 : memref<1x1x128xi32, #tpu.memory_space<hbm>> -> memref<128xi32, #tpu.memory_space<hbm>>
    %dma_start3A_27 = arith.constant 0 : i32
    %dma_start3A_28 = tpu.memref_slice %arg4[%add3A, %dma_start3A_23, %dma_start3A_27] : memref<32x80x128xi32, #tpu.memory_space<hbm>> -> memref<1x1x128xi32, #tpu.memory_space<hbm>>
    %dma_start3A_29 = tpu.memref_squeeze %dma_start3A_28 : memref<1x1x128xi32, #tpu.memory_space<hbm>> -> memref<128xi32, #tpu.memory_space<hbm>>
    tpu.enqueue_dma source(%dma_start3A_29 : memref<128xi32, #tpu.memory_space<hbm>>) target(%arg9 : memref<128xi32, #tpu.memory_space<vmem>>) target_semaphore(%arg14 : memref<!tpu.dma_semaphore, #tpu.memory_space<semaphore_mem>>)
    %scan3A = arith.constant 0 : i32
    %scan3A_30 = arith.constant 0 : i32
    %scan3A_31 = arith.constant 39 : i32
    %scan3A_32 = arith.addi %scan3A_30, %scan3A_31 : i32
    %scan3A_33 = arith.constant 1 : i32
    scf.for %scan3A_63 = %scan3A_30 to %scan3A_32 step %scan3A_33  : i32 {
      %mul3A_64 = arith.constant 2 : i32
      %mul3A_65 = arith.muli %mul3A_64, %scan3A_63 : i32
      %dma_wait3A_66 = arith.constant 0 : i32
      %dma_wait3A_67 = tpu.memref_slice %arg7[%mul3A_65, %dma_wait3A_66] : memref<80x128xi32, #tpu.memory_space<vmem>> -> memref<1x128xi32, #tpu.memory_space<vmem>>
      %dma_wait3A_68 = tpu.memref_squeeze %dma_wait3A_67 : memref<1x128xi32, #tpu.memory_space<vmem>> -> memref<128xi32, #tpu.memory_space<vmem>>
      %dma_wait3A_69 = arith.constant 0 : i32
      %dma_wait3A_70 = arith.constant 0 : i32
      %dma_wait3A_71 = tpu.memref_slice %arg2[%dma_wait3A_69, %dma_wait3A_70] : memref<10240x128xf32, #tpu.memory_space<hbm>> -> memref<10240x128xf32, #tpu.memory_space<hbm>>
      tpu.wait_indirect_dma semaphore(%arg13 : memref<!tpu.dma_semaphore, #tpu.memory_space<semaphore_mem>>) src(%dma_wait3A_71 : memref<10240x128xf32, #tpu.memory_space<hbm>>) dst(%arg10 : memref<128x128xf32, #tpu.memory_space<vmem>>)
      %dma_wait3A_72 = arith.constant 0 : i32
      %dma_wait3A_73 = tpu.memref_slice %arg4[%add3A, %mul3A_65, %dma_wait3A_72] : memref<32x80x128xi32, #tpu.memory_space<hbm>> -> memref<1x1x128xi32, #tpu.memory_space<hbm>>
      %dma_wait3A_74 = tpu.memref_squeeze %dma_wait3A_73 : memref<1x1x128xi32, #tpu.memory_space<hbm>> -> memref<128xi32, #tpu.memory_space<hbm>>
      %dma_wait3A_75 = arith.constant 0 : i32
      %dma_wait3A_76 = tpu.memref_slice %arg4[%add3A, %mul3A_65, %dma_wait3A_75] : memref<32x80x128xi32, #tpu.memory_space<hbm>> -> memref<1x1x128xi32, #tpu.memory_space<hbm>>
      %dma_wait3A_77 = tpu.memref_squeeze %dma_wait3A_76 : memref<1x1x128xi32, #tpu.memory_space<hbm>> -> memref<128xi32, #tpu.memory_space<hbm>>
      tpu.wait_dma2 semaphore(%arg13 : memref<!tpu.dma_semaphore, #tpu.memory_space<semaphore_mem>>) src(%dma_wait3A_77 : memref<128xi32, #tpu.memory_space<hbm>>) dst(%arg8 : memref<128xi32, #tpu.memory_space<vmem>>)
      "tpu.region"() ({
        %run_scoped3A = tpu.sem_alloc : memref<!tpu.dma_semaphore, #tpu.memory_space<semaphore_mem>>
        %dma_start3A_124 = arith.constant 0 : i32
        %dma_start3A_125 = arith.constant 0 : i32
        %dma_start3A_126 = tpu.memref_slice %arg12[%dma_start3A_124, %dma_start3A_125] : memref<10240x128xf32, #tpu.memory_space<vmem_shared>> -> memref<10240x128xf32, #tpu.memory_space<vmem_shared>>
        tpu.enqueue_indirect_dma source(%arg10 : memref<128x128xf32, #tpu.memory_space<vmem>>) target(%dma_start3A_126 : memref<10240x128xf32, #tpu.memory_space<vmem_shared>>) offsets(%arg8 : memref<128xi32, #tpu.memory_space<vmem>>) semaphore(%run_scoped3A : memref<!tpu.dma_semaphore, #tpu.memory_space<semaphore_mem>>) {add = true}
        %dma_wait3A_127 = arith.constant 0 : i32
        %dma_wait3A_128 = arith.constant 0 : i32
        %dma_wait3A_129 = tpu.memref_slice %arg12[%dma_wait3A_127, %dma_wait3A_128] : memref<10240x128xf32, #tpu.memory_space<vmem_shared>> -> memref<10240x128xf32, #tpu.memory_space<vmem_shared>>
        tpu.wait_indirect_dma semaphore(%run_scoped3A : memref<!tpu.dma_semaphore, #tpu.memory_space<semaphore_mem>>) src(%arg10 : memref<128x128xf32, #tpu.memory_space<vmem>>) dst(%dma_wait3A_129 : memref<10240x128xf32, #tpu.memory_space<vmem_shared>>)
        tpu.yield
      }) : () -> ()
      %add3A_78 = arith.constant 2 : i32
      %add3A_79 = arith.addi %mul3A_65, %add3A_78 : i32
      %dma_start3A_80 = arith.constant 0 : i32
      %dma_start3A_81 = tpu.memref_slice %arg7[%add3A_79, %dma_start3A_80] : memref<80x128xi32, #tpu.memory_space<vmem>> -> memref<1x128xi32, #tpu.memory_space<vmem>>
      %dma_start3A_82 = tpu.memref_squeeze %dma_start3A_81 : memref<1x128xi32, #tpu.memory_space<vmem>> -> memref<128xi32, #tpu.memory_space<vmem>>
      %dma_start3A_83 = arith.constant 0 : i32
      %dma_start3A_84 = arith.constant 0 : i32
      %dma_start3A_85 = tpu.memref_slice %arg2[%dma_start3A_83, %dma_start3A_84] : memref<10240x128xf32, #tpu.memory_space<hbm>> -> memref<10240x128xf32, #tpu.memory_space<hbm>>
      tpu.enqueue_indirect_dma source(%dma_start3A_85 : memref<10240x128xf32, #tpu.memory_space<hbm>>) target(%arg10 : memref<128x128xf32, #tpu.memory_space<vmem>>) offsets(%dma_start3A_82 : memref<128xi32, #tpu.memory_space<vmem>>) semaphore(%arg13 : memref<!tpu.dma_semaphore, #tpu.memory_space<semaphore_mem>>)
      %add3A_86 = arith.constant 2 : i32
      %add3A_87 = arith.addi %mul3A_65, %add3A_86 : i32
      %dma_start3A_88 = arith.constant 0 : i32
      %dma_start3A_89 = tpu.memref_slice %arg4[%add3A, %add3A_87, %dma_start3A_88] : memref<32x80x128xi32, #tpu.memory_space<hbm>> -> memref<1x1x128xi32, #tpu.memory_space<hbm>>
      %dma_start3A_90 = tpu.memref_squeeze %dma_start3A_89 : memref<1x1x128xi32, #tpu.memory_space<hbm>> -> memref<128xi32, #tpu.memory_space<hbm>>
      %dma_start3A_91 = arith.constant 0 : i32
      %dma_start3A_92 = tpu.memref_slice %arg4[%add3A, %add3A_87, %dma_start3A_91] : memref<32x80x128xi32, #tpu.memory_space<hbm>> -> memref<1x1x128xi32, #tpu.memory_space<hbm>>
      %dma_start3A_93 = tpu.memref_squeeze %dma_start3A_92 : memref<1x1x128xi32, #tpu.memory_space<hbm>> -> memref<128xi32, #tpu.memory_space<hbm>>
      tpu.enqueue_dma source(%dma_start3A_93 : memref<128xi32, #tpu.memory_space<hbm>>) target(%arg8 : memref<128xi32, #tpu.memory_space<vmem>>) target_semaphore(%arg13 : memref<!tpu.dma_semaphore, #tpu.memory_space<semaphore_mem>>)
      %add3A_94 = arith.constant 1 : i32
      %add3A_95 = arith.addi %mul3A_65, %add3A_94 : i32
      %dma_wait3A_96 = arith.constant 0 : i32
      %dma_wait3A_97 = tpu.memref_slice %arg7[%add3A_95, %dma_wait3A_96] : memref<80x128xi32, #tpu.memory_space<vmem>> -> memref<1x128xi32, #tpu.memory_space<vmem>>
      %dma_wait3A_98 = tpu.memref_squeeze %dma_wait3A_97 : memref<1x128xi32, #tpu.memory_space<vmem>> -> memref<128xi32, #tpu.memory_space<vmem>>
      %dma_wait3A_99 = arith.constant 0 : i32
      %dma_wait3A_100 = arith.constant 0 : i32
      %dma_wait3A_101 = tpu.memref_slice %arg2[%dma_wait3A_99, %dma_wait3A_100] : memref<10240x128xf32, #tpu.memory_space<hbm>> -> memref<10240x128xf32, #tpu.memory_space<hbm>>
      tpu.wait_indirect_dma semaphore(%arg14 : memref<!tpu.dma_semaphore, #tpu.memory_space<semaphore_mem>>) src(%dma_wait3A_101 : memref<10240x128xf32, #tpu.memory_space<hbm>>) dst(%arg11 : memref<128x128xf32, #tpu.memory_space<vmem>>)
      %dma_wait3A_102 = arith.constant 0 : i32
      %dma_wait3A_103 = tpu.memref_slice %arg4[%add3A, %add3A_95, %dma_wait3A_102] : memref<32x80x128xi32, #tpu.memory_space<hbm>> -> memref<1x1x128xi32, #tpu.memory_space<hbm>>
      %dma_wait3A_104 = tpu.memref_squeeze %dma_wait3A_103 : memref<1x1x128xi32, #tpu.memory_space<hbm>> -> memref<128xi32, #tpu.memory_space<hbm>>
      %dma_wait3A_105 = arith.constant 0 : i32
      %dma_wait3A_106 = tpu.memref_slice %arg4[%add3A, %add3A_95, %dma_wait3A_105] : memref<32x80x128xi32, #tpu.memory_space<hbm>> -> memref<1x1x128xi32, #tpu.memory_space<hbm>>
      %dma_wait3A_107 = tpu.memref_squeeze %dma_wait3A_106 : memref<1x1x128xi32, #tpu.memory_space<hbm>> -> memref<128xi32, #tpu.memory_space<hbm>>
      tpu.wait_dma2 semaphore(%arg14 : memref<!tpu.dma_semaphore, #tpu.memory_space<semaphore_mem>>) src(%dma_wait3A_107 : memref<128xi32, #tpu.memory_space<hbm>>) dst(%arg9 : memref<128xi32, #tpu.memory_space<vmem>>)
      "tpu.region"() ({
        %run_scoped3A = tpu.sem_alloc : memref<!tpu.dma_semaphore, #tpu.memory_space<semaphore_mem>>
        %dma_start3A_124 = arith.constant 0 : i32
        %dma_start3A_125 = arith.constant 0 : i32
        %dma_start3A_126 = tpu.memref_slice %arg12[%dma_start3A_124, %dma_start3A_125] : memref<10240x128xf32, #tpu.memory_space<vmem_shared>> -> memref<10240x128xf32, #tpu.memory_space<vmem_shared>>
        tpu.enqueue_indirect_dma source(%arg11 : memref<128x128xf32, #tpu.memory_space<vmem>>) target(%dma_start3A_126 : memref<10240x128xf32, #tpu.memory_space<vmem_shared>>) offsets(%arg9 : memref<128xi32, #tpu.memory_space<vmem>>) semaphore(%run_scoped3A : memref<!tpu.dma_semaphore, #tpu.memory_space<semaphore_mem>>) {add = true}
        %dma_wait3A_127 = arith.constant 0 : i32
        %dma_wait3A_128 = arith.constant 0 : i32
        %dma_wait3A_129 = tpu.memref_slice %arg12[%dma_wait3A_127, %dma_wait3A_128] : memref<10240x128xf32, #tpu.memory_space<vmem_shared>> -> memref<10240x128xf32, #tpu.memory_space<vmem_shared>>
        tpu.wait_indirect_dma semaphore(%run_scoped3A : memref<!tpu.dma_semaphore, #tpu.memory_space<semaphore_mem>>) src(%arg11 : memref<128x128xf32, #tpu.memory_space<vmem>>) dst(%dma_wait3A_129 : memref<10240x128xf32, #tpu.memory_space<vmem_shared>>)
        tpu.yield
      }) : () -> ()
      %add3A_108 = arith.constant 3 : i32
      %add3A_109 = arith.addi %mul3A_65, %add3A_108 : i32
      %dma_start3A_110 = arith.constant 0 : i32
      %dma_start3A_111 = tpu.memref_slice %arg7[%add3A_109, %dma_start3A_110] : memref<80x128xi32, #tpu.memory_space<vmem>> -> memref<1x128xi32, #tpu.memory_space<vmem>>
      %dma_start3A_112 = tpu.memref_squeeze %dma_start3A_111 : memref<1x128xi32, #tpu.memory_space<vmem>> -> memref<128xi32, #tpu.memory_space<vmem>>
      %dma_start3A_113 = arith.constant 0 : i32
      %dma_start3A_114 = arith.constant 0 : i32
      %dma_start3A_115 = tpu.memref_slice %arg2[%dma_start3A_113, %dma_start3A_114] : memref<10240x128xf32, #tpu.memory_space<hbm>> -> memref<10240x128xf32, #tpu.memory_space<hbm>>
      tpu.enqueue_indirect_dma source(%dma_start3A_115 : memref<10240x128xf32, #tpu.memory_space<hbm>>) target(%arg11 : memref<128x128xf32, #tpu.memory_space<vmem>>) offsets(%dma_start3A_112 : memref<128xi32, #tpu.memory_space<vmem>>) semaphore(%arg14 : memref<!tpu.dma_semaphore, #tpu.memory_space<semaphore_mem>>)
      %add3A_116 = arith.constant 3 : i32
      %add3A_117 = arith.addi %mul3A_65, %add3A_116 : i32
      %dma_start3A_118 = arith.constant 0 : i32
      %dma_start3A_119 = tpu.memref_slice %arg4[%add3A, %add3A_117, %dma_start3A_118] : memref<32x80x128xi32, #tpu.memory_space<hbm>> -> memref<1x1x128xi32, #tpu.memory_space<hbm>>
      %dma_start3A_120 = tpu.memref_squeeze %dma_start3A_119 : memref<1x1x128xi32, #tpu.memory_space<hbm>> -> memref<128xi32, #tpu.memory_space<hbm>>
      %dma_start3A_121 = arith.constant 0 : i32
      %dma_start3A_122 = tpu.memref_slice %arg4[%add3A, %add3A_117, %dma_start3A_121] : memref<32x80x128xi32, #tpu.memory_space<hbm>> -> memref<1x1x128xi32, #tpu.memory_space<hbm>>
      %dma_start3A_123 = tpu.memref_squeeze %dma_start3A_122 : memref<1x1x128xi32, #tpu.memory_space<hbm>> -> memref<128xi32, #tpu.memory_space<hbm>>
      tpu.enqueue_dma source(%dma_start3A_123 : memref<128xi32, #tpu.memory_space<hbm>>) target(%arg9 : memref<128xi32, #tpu.memory_space<vmem>>) target_semaphore(%arg14 : memref<!tpu.dma_semaphore, #tpu.memory_space<semaphore_mem>>)
    }
    %scan3A_34 = arith.constant 39 : i32
    %dma_wait3A = arith.constant 78 : i32
    %dma_wait3A_35 = arith.constant 0 : i32
    %dma_wait3A_36 = tpu.memref_slice %arg7[%dma_wait3A, %dma_wait3A_35] : memref<80x128xi32, #tpu.memory_space<vmem>> -> memref<1x128xi32, #tpu.memory_space<vmem>>
    %dma_wait3A_37 = tpu.memref_squeeze %dma_wait3A_36 : memref<1x128xi32, #tpu.memory_space<vmem>> -> memref<128xi32, #tpu.memory_space<vmem>>
    %dma_wait3A_38 = arith.constant 0 : i32
    %dma_wait3A_39 = arith.constant 0 : i32
    %dma_wait3A_40 = tpu.memref_slice %arg2[%dma_wait3A_38, %dma_wait3A_39] : memref<10240x128xf32, #tpu.memory_space<hbm>> -> memref<10240x128xf32, #tpu.memory_space<hbm>>
    tpu.wait_indirect_dma semaphore(%arg13 : memref<!tpu.dma_semaphore, #tpu.memory_space<semaphore_mem>>) src(%dma_wait3A_40 : memref<10240x128xf32, #tpu.memory_space<hbm>>) dst(%arg10 : memref<128x128xf32, #tpu.memory_space<vmem>>)
    %dma_wait3A_41 = arith.constant 78 : i32
    %dma_wait3A_42 = arith.constant 0 : i32
    %dma_wait3A_43 = tpu.memref_slice %arg4[%add3A, %dma_wait3A_41, %dma_wait3A_42] : memref<32x80x128xi32, #tpu.memory_space<hbm>> -> memref<1x1x128xi32, #tpu.memory_space<hbm>>
    %dma_wait3A_44 = tpu.memref_squeeze %dma_wait3A_43 : memref<1x1x128xi32, #tpu.memory_space<hbm>> -> memref<128xi32, #tpu.memory_space<hbm>>
    %dma_wait3A_45 = arith.constant 0 : i32
    %dma_wait3A_46 = tpu.memref_slice %arg4[%add3A, %dma_wait3A_41, %dma_wait3A_45] : memref<32x80x128xi32, #tpu.memory_space<hbm>> -> memref<1x1x128xi32, #tpu.memory_space<hbm>>
    %dma_wait3A_47 = tpu.memref_squeeze %dma_wait3A_46 : memref<1x1x128xi32, #tpu.memory_space<hbm>> -> memref<128xi32, #tpu.memory_space<hbm>>
    tpu.wait_dma2 semaphore(%arg13 : memref<!tpu.dma_semaphore, #tpu.memory_space<semaphore_mem>>) src(%dma_wait3A_47 : memref<128xi32, #tpu.memory_space<hbm>>) dst(%arg8 : memref<128xi32, #tpu.memory_space<vmem>>)
    "tpu.region"() ({
      %run_scoped3A = tpu.sem_alloc : memref<!tpu.dma_semaphore, #tpu.memory_space<semaphore_mem>>
      %dma_start3A_63 = arith.constant 0 : i32
      %dma_start3A_64 = arith.constant 0 : i32
      %dma_start3A_65 = tpu.memref_slice %arg12[%dma_start3A_63, %dma_start3A_64] : memref<10240x128xf32, #tpu.memory_space<vmem_shared>> -> memref<10240x128xf32, #tpu.memory_space<vmem_shared>>
      tpu.enqueue_indirect_dma source(%arg10 : memref<128x128xf32, #tpu.memory_space<vmem>>) target(%dma_start3A_65 : memref<10240x128xf32, #tpu.memory_space<vmem_shared>>) offsets(%arg8 : memref<128xi32, #tpu.memory_space<vmem>>) semaphore(%run_scoped3A : memref<!tpu.dma_semaphore, #tpu.memory_space<semaphore_mem>>) {add = true}
      %dma_wait3A_66 = arith.constant 0 : i32
      %dma_wait3A_67 = arith.constant 0 : i32
      %dma_wait3A_68 = tpu.memref_slice %arg12[%dma_wait3A_66, %dma_wait3A_67] : memref<10240x128xf32, #tpu.memory_space<vmem_shared>> -> memref<10240x128xf32, #tpu.memory_space<vmem_shared>>
      tpu.wait_indirect_dma semaphore(%run_scoped3A : memref<!tpu.dma_semaphore, #tpu.memory_space<semaphore_mem>>) src(%arg10 : memref<128x128xf32, #tpu.memory_space<vmem>>) dst(%dma_wait3A_68 : memref<10240x128xf32, #tpu.memory_space<vmem_shared>>)
      tpu.yield
    }) : () -> ()
    %dma_wait3A_48 = arith.constant 79 : i32
    %dma_wait3A_49 = arith.constant 0 : i32
    %dma_wait3A_50 = tpu.memref_slice %arg7[%dma_wait3A_48, %dma_wait3A_49] : memref<80x128xi32, #tpu.memory_space<vmem>> -> memref<1x128xi32, #tpu.memory_space<vmem>>
    %dma_wait3A_51 = tpu.memref_squeeze %dma_wait3A_50 : memref<1x128xi32, #tpu.memory_space<vmem>> -> memref<128xi32, #tpu.memory_space<vmem>>
    %dma_wait3A_52 = arith.constant 0 : i32
    %dma_wait3A_53 = arith.constant 0 : i32
    %dma_wait3A_54 = tpu.memref_slice %arg2[%dma_wait3A_52, %dma_wait3A_53] : memref<10240x128xf32, #tpu.memory_space<hbm>> -> memref<10240x128xf32, #tpu.memory_space<hbm>>
    tpu.wait_indirect_dma semaphore(%arg14 : memref<!tpu.dma_semaphore, #tpu.memory_space<semaphore_mem>>) src(%dma_wait3A_54 : memref<10240x128xf32, #tpu.memory_space<hbm>>) dst(%arg11 : memref<128x128xf32, #tpu.memory_space<vmem>>)
    %dma_wait3A_55 = arith.constant 79 : i32
    %dma_wait3A_56 = arith.constant 0 : i32
    %dma_wait3A_57 = tpu.memref_slice %arg4[%add3A, %dma_wait3A_55, %dma_wait3A_56] : memref<32x80x128xi32, #tpu.memory_space<hbm>> -> memref<1x1x128xi32, #tpu.memory_space<hbm>>
    %dma_wait3A_58 = tpu.memref_squeeze %dma_wait3A_57 : memref<1x1x128xi32, #tpu.memory_space<hbm>> -> memref<128xi32, #tpu.memory_space<hbm>>
    %dma_wait3A_59 = arith.constant 0 : i32
    %dma_wait3A_60 = tpu.memref_slice %arg4[%add3A, %dma_wait3A_55, %dma_wait3A_59] : memref<32x80x128xi32, #tpu.memory_space<hbm>> -> memref<1x1x128xi32, #tpu.memory_space<hbm>>
    %dma_wait3A_61 = tpu.memref_squeeze %dma_wait3A_60 : memref<1x1x128xi32, #tpu.memory_space<hbm>> -> memref<128xi32, #tpu.memory_space<hbm>>
    tpu.wait_dma2 semaphore(%arg14 : memref<!tpu.dma_semaphore, #tpu.memory_space<semaphore_mem>>) src(%dma_wait3A_61 : memref<128xi32, #tpu.memory_space<hbm>>) dst(%arg9 : memref<128xi32, #tpu.memory_space<vmem>>)
    "tpu.region"() ({
      %run_scoped3A = tpu.sem_alloc : memref<!tpu.dma_semaphore, #tpu.memory_space<semaphore_mem>>
      %dma_start3A_63 = arith.constant 0 : i32
      %dma_start3A_64 = arith.constant 0 : i32
      %dma_start3A_65 = tpu.memref_slice %arg12[%dma_start3A_63, %dma_start3A_64] : memref<10240x128xf32, #tpu.memory_space<vmem_shared>> -> memref<10240x128xf32, #tpu.memory_space<vmem_shared>>
      tpu.enqueue_indirect_dma source(%arg11 : memref<128x128xf32, #tpu.memory_space<vmem>>) target(%dma_start3A_65 : memref<10240x128xf32, #tpu.memory_space<vmem_shared>>) offsets(%arg9 : memref<128xi32, #tpu.memory_space<vmem>>) semaphore(%run_scoped3A : memref<!tpu.dma_semaphore, #tpu.memory_space<semaphore_mem>>) {add = true}
      %dma_wait3A_66 = arith.constant 0 : i32
      %dma_wait3A_67 = arith.constant 0 : i32
      %dma_wait3A_68 = tpu.memref_slice %arg12[%dma_wait3A_66, %dma_wait3A_67] : memref<10240x128xf32, #tpu.memory_space<vmem_shared>> -> memref<10240x128xf32, #tpu.memory_space<vmem_shared>>
      tpu.wait_indirect_dma semaphore(%run_scoped3A : memref<!tpu.dma_semaphore, #tpu.memory_space<semaphore_mem>>) src(%arg11 : memref<128x128xf32, #tpu.memory_space<vmem>>) dst(%dma_wait3A_68 : memref<10240x128xf32, #tpu.memory_space<vmem_shared>>)
      tpu.yield
    }) : () -> ()
    %barrier3A_62 = arith.constant 0 : index
    tpu.barrier barrier_id(%barrier3A_62)
    "tpu.region"() ({
      %run_scoped3A = tpu.sem_alloc : memref<!tpu.dma_semaphore, #tpu.memory_space<semaphore_mem>>
      %dma_start3A_63 = arith.constant 0 : i32
      %dma_start3A_64 = tpu.memref_slice %arg6[%arg0, %mul3A_2, %dma_start3A_63] : memref<2x10240x128xf32, #tpu.memory_space<hbm>> -> memref<1x640x128xf32, #tpu.memory_space<hbm>>
      %dma_start3A_65 = tpu.memref_squeeze %dma_start3A_64 : memref<1x640x128xf32, #tpu.memory_space<hbm>> -> memref<640x128xf32, #tpu.memory_space<hbm>>
      %dma_start3A_66 = arith.constant 0 : i32
      %dma_start3A_67 = tpu.memref_slice %arg12[%mul3A_2, %dma_start3A_66] : memref<10240x128xf32, #tpu.memory_space<vmem_shared>> -> memref<640x128xf32, #tpu.memory_space<vmem_shared>>
      tpu.enqueue_dma source(%dma_start3A_67 : memref<640x128xf32, #tpu.memory_space<vmem_shared>>) target(%dma_start3A_65 : memref<640x128xf32, #tpu.memory_space<hbm>>) target_semaphore(%run_scoped3A : memref<!tpu.dma_semaphore, #tpu.memory_space<semaphore_mem>>)
      %dma_wait3A_68 = arith.constant 0 : i32
      %dma_wait3A_69 = tpu.memref_slice %arg6[%arg0, %mul3A_2, %dma_wait3A_68] : memref<2x10240x128xf32, #tpu.memory_space<hbm>> -> memref<1x640x128xf32, #tpu.memory_space<hbm>>
      %dma_wait3A_70 = tpu.memref_squeeze %dma_wait3A_69 : memref<1x640x128xf32, #tpu.memory_space<hbm>> -> memref<640x128xf32, #tpu.memory_space<hbm>>
      %dma_wait3A_71 = arith.constant 0 : i32
      %dma_wait3A_72 = tpu.memref_slice %arg12[%mul3A_2, %dma_wait3A_71] : memref<10240x128xf32, #tpu.memory_space<vmem_shared>> -> memref<640x128xf32, #tpu.memory_space<vmem_shared>>
      tpu.wait_dma2 semaphore(%run_scoped3A : memref<!tpu.dma_semaphore, #tpu.memory_space<semaphore_mem>>) src(%dma_wait3A_72 : memref<640x128xf32, #tpu.memory_space<vmem_shared>>) dst(%dma_wait3A_70 : memref<640x128xf32, #tpu.memory_space<hbm>>)
      tpu.yield
    }) : () -> ()
    return
  }
}

module attributes {stable_mosaic.version = 14 : i64} {
  func.func @_tc_mm_body(%arg0: memref<10000x128xf32, #tpu.memory_space<vmem>>, %arg1: memref<128x32xf32, #tpu.memory_space<vmem>>, %arg2: memref<10000x32xf32, #tpu.memory_space<vmem>>) attributes {dimension_semantics = [], scalar_prefetch = 0 : i64, scratch_operands = 0 : i64, tpu.core_type = #tpu.core_type<tc>} {
    %get3A = arith.constant 0 : index
    %get3A_0 = arith.constant 0 : index
    %get3A_1 = vector.load %arg0[%get3A, %get3A_0] : memref<10000x128xf32, #tpu.memory_space<vmem>>, vector<10000x128xf32>
    %get3A_2 = arith.constant 0 : index
    %get3A_3 = arith.constant 0 : index
    %get3A_4 = vector.load %arg1[%get3A_2, %get3A_3] : memref<128x32xf32, #tpu.memory_space<vmem>>, vector<128x32xf32>
    %dot_general3A = arith.constant dense<0.000000e+00> : vector<10000x32xf32>
    %dot_general3A_5 = tpu.matmul %get3A_1, %get3A_4, %dot_general3A {dimension_numbers = #tpu.dot_dimension_numbers<[1], [0], [0], [1], [0, 0, 1, 1], [], []>, precision = #tpu.contract_precision<fp32>, transpose_lhs_hint = false} : vector<10000x128xf32>, vector<128x32xf32>, vector<10000x32xf32> -> vector<10000x32xf32>
    %swap3A = arith.constant 0 : index
    %swap3A_6 = arith.constant 0 : index
    %swap3A_7 = vector.load %arg2[%swap3A, %swap3A_6] : memref<10000x32xf32, #tpu.memory_space<vmem>>, vector<10000x32xf32>
    tpu.vector_store %arg2[%swap3A, %swap3A_6], %dot_general3A_5 {strides = array<i32>} : memref<10000x32xf32, #tpu.memory_space<vmem>>, vector<10000x32xf32>,
    return
  }
}

module attributes {stable_mosaic.version = 14 : i64} {
  func.func @_tc_a_body(%arg0: memref<2x10240xf32, #tpu.memory_space<vmem>>, %arg1: memref<10000x32xf32, #tpu.memory_space<vmem>>, %arg2: memref<10240x128xf32, #tpu.memory_space<vmem>>) attributes {dimension_semantics = [], scalar_prefetch = 0 : i64, scratch_operands = 0 : i64, tpu.core_type = #tpu.core_type<tc>} {
    %get3A = arith.constant 0 : index
    %get3A_0 = arith.constant 0 : index
    %get3A_1 = vector.load %arg0[%get3A, %get3A_0] : memref<2x10240xf32, #tpu.memory_space<vmem>>, vector<2x10240xf32>
    %slice3A = vector.extract_strided_slice %get3A_1 {offsets = [0, 0], sizes = [1, 10000], strides = [1, 1]} : vector<2x10240xf32> to vector<1x10000xf32>
    %squeeze3A = vector.shape_cast %slice3A : vector<1x10000xf32> to vector<10000xf32>
    %slice3A_2 = vector.extract_strided_slice %get3A_1 {offsets = [1, 0], sizes = [1, 10000], strides = [1, 1]} : vector<2x10240xf32> to vector<1x10000xf32>
    %squeeze3A_3 = vector.shape_cast %slice3A_2 : vector<1x10000xf32> to vector<10000xf32>
    %add3A = arith.addf %squeeze3A, %squeeze3A_3 : vector<10000xf32>
    %add3A_4 = arith.constant 1.000000e+00 : f32
    %add3A_5 = vector.broadcast %add3A_4 : f32 to vector<10000xf32>
    %add3A_6 = arith.addf %add3A, %add3A_5 : vector<10000xf32>
    %rsqrt3A = math.rsqrt %add3A_6 : vector<10000xf32>
    %get3A_7 = arith.constant 0 : index
    %get3A_8 = arith.constant 0 : index
    %get3A_9 = vector.load %arg1[%get3A_7, %get3A_8] : memref<10000x32xf32, #tpu.memory_space<vmem>>, vector<10000x32xf32>
    %broadcast_in_dim3A = vector.shape_cast %rsqrt3A : vector<10000xf32> to vector<10000x1xf32>
    %mul3A = vector.broadcast %broadcast_in_dim3A : vector<10000x1xf32> to vector<10000x32xf32>
    %mul3A_10 = arith.mulf %get3A_9, %mul3A : vector<10000x32xf32>
    %jit3A = arith.constant 0 : i32
    %convert_element_type3A = arith.sitofp %jit3A : i32 to f32
    %pad3A = vector.broadcast %convert_element_type3A : f32 to vector<240x32xf32>
    %pad3A_11 = tpu.concatenate %mul3A_10, %pad3A in 0 : vector<10000x32xf32>, vector<240x32xf32> -> vector<10240x32xf32>
    %pad3A_12 = vector.broadcast %convert_element_type3A : f32 to vector<10240x96xf32>
    %pad3A_13 = tpu.concatenate %pad3A_11, %pad3A_12 in 1 : vector<10240x32xf32>, vector<10240x96xf32> -> vector<10240x128xf32>
    %swap3A = arith.constant 0 : index
    %swap3A_14 = arith.constant 0 : index
    %swap3A_15 = vector.load %arg2[%swap3A, %swap3A_14] : memref<10240x128xf32, #tpu.memory_space<vmem>>, vector<10240x128xf32>
    tpu.vector_store %arg2[%swap3A, %swap3A_14], %pad3A_13 {strides = array<i32>} : memref<10240x128xf32, #tpu.memory_space<vmem>>, vector<10240x128xf32>,
    return
  }
}

module attributes {stable_mosaic.version = 14 : i64} {
  func.func @_tc_b_body(%arg0: memref<2x10240x128xf32, #tpu.memory_space<vmem>>, %arg1: memref<10240x128xf32, #tpu.memory_space<vmem>>, %arg2: memref<2x10240xf32, #tpu.memory_space<vmem>>, %arg3: memref<32x32xf32, #tpu.memory_space<vmem>>, %arg4: memref<32xf32, #tpu.memory_space<vmem>>, %arg5: memref<10240x128xf32, #tpu.memory_space<vmem>>) attributes {dimension_semantics = [], scalar_prefetch = 0 : i64, scratch_operands = 0 : i64, tpu.core_type = #tpu.core_type<tc>} {
    %get3A = arith.constant 0 : index
    %get3A_0 = arith.constant 0 : index
    %get3A_1 = vector.load %arg2[%get3A, %get3A_0] : memref<2x10240xf32, #tpu.memory_space<vmem>>, vector<2x10240xf32>
    %slice3A = vector.extract_strided_slice %get3A_1 {offsets = [0, 0], sizes = [1, 10000], strides = [1, 1]} : vector<2x10240xf32> to vector<1x10000xf32>
    %squeeze3A = vector.shape_cast %slice3A : vector<1x10000xf32> to vector<10000xf32>
    %slice3A_2 = vector.extract_strided_slice %get3A_1 {offsets = [1, 0], sizes = [1, 10000], strides = [1, 1]} : vector<2x10240xf32> to vector<1x10000xf32>
    %squeeze3A_3 = vector.shape_cast %slice3A_2 : vector<1x10000xf32> to vector<10000xf32>
    %add3A = arith.addf %squeeze3A, %squeeze3A_3 : vector<10000xf32>
    %add3A_4 = arith.constant 1.000000e+00 : f32
    %add3A_5 = vector.broadcast %add3A_4 : f32 to vector<10000xf32>
    %add3A_6 = arith.addf %add3A, %add3A_5 : vector<10000xf32>
    %rsqrt3A = math.rsqrt %add3A_6 : vector<10000xf32>
    %get3A_7 = arith.constant 0 : index
    %get3A_8 = arith.constant 0 : index
    %get3A_9 = arith.constant 0 : index
    %get3A_10 = vector.load %arg0[%get3A_7, %get3A_8, %get3A_9] : memref<2x10240x128xf32, #tpu.memory_space<vmem>>, vector<1x10000x32xf32>
    %get3A_11 = vector.shape_cast %get3A_10 : vector<1x10000x32xf32> to vector<10000x32xf32>
    %get3A_12 = arith.constant 1 : index
    %get3A_13 = arith.constant 0 : index
    %get3A_14 = arith.constant 0 : index
    %get3A_15 = vector.load %arg0[%get3A_12, %get3A_13, %get3A_14] : memref<2x10240x128xf32, #tpu.memory_space<vmem>>, vector<1x10000x32xf32>
    %get3A_16 = vector.shape_cast %get3A_15 : vector<1x10000x32xf32> to vector<10000x32xf32>
    %add3A_17 = arith.addf %get3A_11, %get3A_16 : vector<10000x32xf32>
    %get3A_18 = arith.constant 0 : index
    %get3A_19 = arith.constant 0 : index
    %get3A_20 = vector.load %arg1[%get3A_18, %get3A_19] : memref<10240x128xf32, #tpu.memory_space<vmem>>, vector<10000x32xf32>
    %add3A_21 = arith.addf %add3A_17, %get3A_20 : vector<10000x32xf32>
    %broadcast_in_dim3A = vector.shape_cast %rsqrt3A : vector<10000xf32> to vector<10000x1xf32>
    %mul3A = vector.broadcast %broadcast_in_dim3A : vector<10000x1xf32> to vector<10000x32xf32>
    %mul3A_22 = arith.mulf %add3A_21, %mul3A : vector<10000x32xf32>
    %get3A_23 = arith.constant 0 : index
    %get3A_24 = vector.load %arg4[%get3A_23] : memref<32xf32, #tpu.memory_space<vmem>>, vector<32xf32>
    %broadcast_in_dim3A_25 = vector.shape_cast %get3A_24 : vector<32xf32> to vector<1x32xf32>
    %add3A_26 = vector.broadcast %broadcast_in_dim3A_25 : vector<1x32xf32> to vector<10000x32xf32>
    %add3A_27 = arith.addf %mul3A_22, %add3A_26 : vector<10000x32xf32>
    %max3A = arith.constant 0.000000e+00 : f32
    %max3A_28 = vector.broadcast %max3A : f32 to vector<10000x32xf32>
    %max3A_29 = arith.maximumf %add3A_27, %max3A_28 : vector<10000x32xf32>
    %get3A_30 = arith.constant 0 : index
    %get3A_31 = arith.constant 0 : index
    %get3A_32 = vector.load %arg3[%get3A_30, %get3A_31] : memref<32x32xf32, #tpu.memory_space<vmem>>, vector<32x32xf32>
    %dot_general3A = arith.constant dense<0.000000e+00> : vector<10000x32xf32>
    %dot_general3A_33 = tpu.matmul %max3A_29, %get3A_32, %dot_general3A {dimension_numbers = #tpu.dot_dimension_numbers<[1], [0], [0], [1], [0, 0, 1, 1], [], []>, precision = #tpu.contract_precision<fp32>, transpose_lhs_hint = false} : vector<10000x32xf32>, vector<32x32xf32>, vector<10000x32xf32> -> vector<10000x32xf32>
    %broadcast_in_dim3A_34 = vector.shape_cast %rsqrt3A : vector<10000xf32> to vector<10000x1xf32>
    %mul3A_35 = vector.broadcast %broadcast_in_dim3A_34 : vector<10000x1xf32> to vector<10000x32xf32>
    %mul3A_36 = arith.mulf %dot_general3A_33, %mul3A_35 : vector<10000x32xf32>
    %jit3A = arith.constant 0 : i32
    %convert_element_type3A = arith.sitofp %jit3A : i32 to f32
    %pad3A = vector.broadcast %convert_element_type3A : f32 to vector<240x32xf32>
    %pad3A_37 = tpu.concatenate %mul3A_36, %pad3A in 0 : vector<10000x32xf32>, vector<240x32xf32> -> vector<10240x32xf32>
    %pad3A_38 = vector.broadcast %convert_element_type3A : f32 to vector<10240x96xf32>
    %pad3A_39 = tpu.concatenate %pad3A_37, %pad3A_38 in 1 : vector<10240x32xf32>, vector<10240x96xf32> -> vector<10240x128xf32>
    %swap3A = arith.constant 0 : index
    %swap3A_40 = arith.constant 0 : index
    %swap3A_41 = vector.load %arg5[%swap3A, %swap3A_40] : memref<10240x128xf32, #tpu.memory_space<vmem>>, vector<10240x128xf32>
    tpu.vector_store %arg5[%swap3A, %swap3A_40], %pad3A_39 {strides = array<i32>} : memref<10240x128xf32, #tpu.memory_space<vmem>>, vector<10240x128xf32>,
    return
  }
}

module attributes {stable_mosaic.version = 14 : i64} {
  func.func @_tc_c_body(%arg0: memref<2x10240x128xf32, #tpu.memory_space<vmem>>, %arg1: memref<10240x128xf32, #tpu.memory_space<vmem>>, %arg2: memref<2x10240xf32, #tpu.memory_space<vmem>>, %arg3: memref<32xf32, #tpu.memory_space<vmem>>, %arg4: memref<32x512xf32, #tpu.memory_space<vmem>>, %arg5: memref<512xf32, #tpu.memory_space<vmem>>, %arg6: memref<512x10xf32, #tpu.memory_space<vmem>>, %arg7: memref<10xf32, #tpu.memory_space<vmem>>, %arg8: memref<1x10xf32, #tpu.memory_space<vmem>>) attributes {dimension_semantics = [], scalar_prefetch = 0 : i64, scratch_operands = 0 : i64, tpu.core_type = #tpu.core_type<tc>} {
    %get3A = arith.constant 0 : index
    %get3A_0 = arith.constant 0 : index
    %get3A_1 = vector.load %arg2[%get3A, %get3A_0] : memref<2x10240xf32, #tpu.memory_space<vmem>>, vector<2x10240xf32>
    %slice3A = vector.extract_strided_slice %get3A_1 {offsets = [0, 0], sizes = [1, 10000], strides = [1, 1]} : vector<2x10240xf32> to vector<1x10000xf32>
    %squeeze3A = vector.shape_cast %slice3A : vector<1x10000xf32> to vector<10000xf32>
    %slice3A_2 = vector.extract_strided_slice %get3A_1 {offsets = [1, 0], sizes = [1, 10000], strides = [1, 1]} : vector<2x10240xf32> to vector<1x10000xf32>
    %squeeze3A_3 = vector.shape_cast %slice3A_2 : vector<1x10000xf32> to vector<10000xf32>
    %add3A = arith.addf %squeeze3A, %squeeze3A_3 : vector<10000xf32>
    %add3A_4 = arith.constant 1.000000e+00 : f32
    %add3A_5 = vector.broadcast %add3A_4 : f32 to vector<10000xf32>
    %add3A_6 = arith.addf %add3A, %add3A_5 : vector<10000xf32>
    %rsqrt3A = math.rsqrt %add3A_6 : vector<10000xf32>
    %get3A_7 = arith.constant 0 : index
    %get3A_8 = arith.constant 0 : index
    %get3A_9 = arith.constant 0 : index
    %get3A_10 = vector.load %arg0[%get3A_7, %get3A_8, %get3A_9] : memref<2x10240x128xf32, #tpu.memory_space<vmem>>, vector<1x10000x32xf32>
    %get3A_11 = vector.shape_cast %get3A_10 : vector<1x10000x32xf32> to vector<10000x32xf32>
    %get3A_12 = arith.constant 1 : index
    %get3A_13 = arith.constant 0 : index
    %get3A_14 = arith.constant 0 : index
    %get3A_15 = vector.load %arg0[%get3A_12, %get3A_13, %get3A_14] : memref<2x10240x128xf32, #tpu.memory_space<vmem>>, vector<1x10000x32xf32>
    %get3A_16 = vector.shape_cast %get3A_15 : vector<1x10000x32xf32> to vector<10000x32xf32>
    %add3A_17 = arith.addf %get3A_11, %get3A_16 : vector<10000x32xf32>
    %get3A_18 = arith.constant 0 : index
    %get3A_19 = arith.constant 0 : index
    %get3A_20 = vector.load %arg1[%get3A_18, %get3A_19] : memref<10240x128xf32, #tpu.memory_space<vmem>>, vector<10000x32xf32>
    %add3A_21 = arith.addf %add3A_17, %get3A_20 : vector<10000x32xf32>
    %broadcast_in_dim3A = vector.shape_cast %rsqrt3A : vector<10000xf32> to vector<10000x1xf32>
    %mul3A = vector.broadcast %broadcast_in_dim3A : vector<10000x1xf32> to vector<10000x32xf32>
    %mul3A_22 = arith.mulf %add3A_21, %mul3A : vector<10000x32xf32>
    %get3A_23 = arith.constant 0 : index
    %get3A_24 = vector.load %arg3[%get3A_23] : memref<32xf32, #tpu.memory_space<vmem>>, vector<32xf32>
    %broadcast_in_dim3A_25 = vector.shape_cast %get3A_24 : vector<32xf32> to vector<1x32xf32>
    %add3A_26 = vector.broadcast %broadcast_in_dim3A_25 : vector<1x32xf32> to vector<10000x32xf32>
    %add3A_27 = arith.addf %mul3A_22, %add3A_26 : vector<10000x32xf32>
    %max3A = arith.constant 0.000000e+00 : f32
    %max3A_28 = vector.broadcast %max3A : f32 to vector<10000x32xf32>
    %max3A_29 = arith.maximumf %add3A_27, %max3A_28 : vector<10000x32xf32>
    %reduce_sum3A = arith.constant dense<0.000000e+00> : vector<32xf32>
    %reduce_sum3A_30 = vector.multi_reduction <add>, %max3A_29, %reduce_sum3A [0] : vector<10000x32xf32> to vector<32xf32>
    %broadcast_in_dim3A_31 = vector.shape_cast %reduce_sum3A_30 : vector<32xf32> to vector<1x32xf32>
    %get3A_32 = arith.constant 0 : index
    %get3A_33 = arith.constant 0 : index
    %get3A_34 = vector.load %arg4[%get3A_32, %get3A_33] : memref<32x512xf32, #tpu.memory_space<vmem>>, vector<32x512xf32>
    %dot_general3A = arith.constant dense<0.000000e+00> : vector<1x512xf32>
    %dot_general3A_35 = tpu.matmul %broadcast_in_dim3A_31, %get3A_34, %dot_general3A {dimension_numbers = #tpu.dot_dimension_numbers<[1], [0], [0], [1], [0, 0, 1, 1], [], []>, precision = #tpu.contract_precision<fp32>, transpose_lhs_hint = false} : vector<1x32xf32>, vector<32x512xf32>, vector<1x512xf32> -> vector<1x512xf32>
    %get3A_36 = arith.constant 0 : index
    %get3A_37 = vector.load %arg5[%get3A_36] : memref<512xf32, #tpu.memory_space<vmem>>, vector<512xf32>
    %broadcast_in_dim3A_38 = vector.shape_cast %get3A_37 : vector<512xf32> to vector<1x512xf32>
    %add3A_39 = arith.addf %dot_general3A_35, %broadcast_in_dim3A_38 : vector<1x512xf32>
    %max3A_40 = arith.constant 0.000000e+00 : f32
    %max3A_41 = vector.broadcast %max3A_40 : f32 to vector<1x512xf32>
    %max3A_42 = arith.maximumf %add3A_39, %max3A_41 : vector<1x512xf32>
    %get3A_43 = arith.constant 0 : index
    %get3A_44 = arith.constant 0 : index
    %get3A_45 = vector.load %arg6[%get3A_43, %get3A_44] : memref<512x10xf32, #tpu.memory_space<vmem>>, vector<512x10xf32>
    %dot_general3A_46 = arith.constant dense<0.000000e+00> : vector<1x10xf32>
    %dot_general3A_47 = tpu.matmul %max3A_42, %get3A_45, %dot_general3A_46 {dimension_numbers = #tpu.dot_dimension_numbers<[1], [0], [0], [1], [0, 0, 1, 1], [], []>, precision = #tpu.contract_precision<fp32>, transpose_lhs_hint = false} : vector<1x512xf32>, vector<512x10xf32>, vector<1x10xf32> -> vector<1x10xf32>
    %get3A_48 = arith.constant 0 : index
    %get3A_49 = vector.load %arg7[%get3A_48] : memref<10xf32, #tpu.memory_space<vmem>>, vector<10xf32>
    %broadcast_in_dim3A_50 = vector.shape_cast %get3A_49 : vector<10xf32> to vector<1x10xf32>
    %add3A_51 = arith.addf %dot_general3A_47, %broadcast_in_dim3A_50 : vector<1x10xf32>
    %reduce_max3A = arith.constant dense<0xFF800000> : vector<1xf32>
    %reduce_max3A_52 = vector.multi_reduction <maximumf>, %add3A_51, %reduce_max3A [1] : vector<1x10xf32> to vector<1xf32>
    %broadcast_in_dim3A_53 = vector.shape_cast %reduce_max3A_52 : vector<1xf32> to vector<1x1xf32>
    %sub3A = vector.broadcast %broadcast_in_dim3A_53 : vector<1x1xf32> to vector<1x10xf32>
    %sub3A_54 = arith.subf %add3A_51, %sub3A : vector<1x10xf32>
    %exp3A = math.exp %sub3A_54 : vector<1x10xf32>
    %reduce_sum3A_55 = arith.constant dense<0.000000e+00> : vector<1xf32>
    %reduce_sum3A_56 = vector.multi_reduction <add>, %exp3A, %reduce_sum3A_55 [1] : vector<1x10xf32> to vector<1xf32>
    %broadcast_in_dim3A_57 = vector.shape_cast %reduce_sum3A_56 : vector<1xf32> to vector<1x1xf32>
    %div3A = vector.broadcast %broadcast_in_dim3A_57 : vector<1x1xf32> to vector<1x10xf32>
    %div3A_58 = arith.divf %exp3A, %div3A : vector<1x10xf32>
    %swap3A = arith.constant 0 : index
    %swap3A_59 = arith.constant 0 : index
    %swap3A_60 = vector.load %arg8[%swap3A, %swap3A_59] : memref<1x10xf32, #tpu.memory_space<vmem>>, vector<1x10xf32>
    tpu.vector_store %arg8[%swap3A, %swap3A_59], %div3A_58 {strides = array<i32>} : memref<1x10xf32, #tpu.memory_space<vmem>>, vector<1x10xf32>,
    return
  }
}

</mosaic_0001>

<sc_bundles>
// kernel: kernel.12.cloned.1.call-start
scs
__scs_entry_jumppad:
0x0: {  	(pc) =	sbr.rel $0x88, $3  }
0x1: {  	(tag) =	ssettag $0x0;
	lr =	simm.s32 $0x1  }
0x2: {  	[smem:$0x3F97] =	sst lr;
	_ =	strace $0xD0000000  }
0x3: {  	_ = 	snop  }
0x4: {  	_ = 	snop  }
0x5: {  	_ = 	snop  }
0x6: {  	_ = 	snop  }
0x7: {  	_ = 	snop  }
__scs_overlays_trampoline_lowered:
0x8: {  	[smem:$0x3FA6] =	sst s0  }
0x9: {  	[smem:$0x3FA7] =	sst s1  }
0xa: {  	[smem:$0x3FA8] =	sst s2  }
0xb: {  	[smem:$0x3FA9] =	sst s3  }
0xc: {  	[smem:$0x3FAA] =	sst s4  }
0xd: {  	[smem:$0x3FAB] =	sst s5  }
0xe: {  	[smem:$0x3FAC] =	sst s6  }
0xf: {  	[smem:$0x3FAD] =	sst s7  }
0x10: {  	[smem:$0x3FAE] =	sst s8  }
0x11: {  	[smem:$0x3FAF] =	sst s9;
	s0 =	simm.s32 @!p0 $0x0  }
0x12: {  	s1 =	sld [smem:$0x3F95];
	s0 =	simm.s32 @p0 $0x1  }
0x13: {  	[smem:$0x3FB0] =	sst s0;
	s0 =	simm.s32 @!p1 $0x0  }
0x14: {  	s2 =	sld [smem:$0x3F94];
	s0 =	simm.s32 @p1 $0x1  }
0x15: {  	[smem:$0x3FB1] =	sst s0;
	s0 =	simm.s32 @!p2 $0x0  }
0x16: {  	s3 =	sld [smem:$0x3FDB];
	s0 =	simm.s32 @p2 $0x1  }
0x17: {  	s4 =	simm.s32 $0x1BF5;
	[smem:$0x3FB3] =	sst s0  }
0x18: {  	s0 =	sld [smem:$0x3F96];
	_ =	swait.ge [sflag:s4], $0x0  }
0x19: {  	s7 =	sld [smem:$0x3F97]  }
0x1a: {  	s8 =	sadd.s32 $0xFFFFE003, lr  }
0x1b: {  	s9 =	sadd.s32 $0xFFFFFEF7, lr;
	s5 =	simm.s32 $0xFFFFFFFF;
	p2 =	slt.u32 s8, $0xFFFFF086  }
0x1c: {  	p1 =	slt.u32 s9, $0xF7A;
	s5 =	simm.s32 @!p2 $0x0  }
0x1d: {  	s5 =	simm.s32 @p1 $0x1;
	p0 =	seq.s32 s7, s2  }
0x1e: {  	s7 =	smul.u32 @!p0 $0xF7A, s2;
	p2 =	seq.s32 @!p0 s5, $0x0  }
0x1f: {  	s9 =	smul.u32 $0xF7A, s1;
	s8 =	simm.s32 @!p0 $0x1BF5;
	p2 =	por !p2, p0  }
0x20: {  	[sflag:s8] =	ssyncset.s32 @!p0 $0xFFFFF086;
	s6 =	sadd.s32 @!p0 s3, s7;
	s7 =	simm.s32 @!p0 $0x108  }
0x21: {  	s3 =	sadd.s32 s3, s9;
	s6 =	sadd.s32 @!p0 $0x88, s6;
	s7 =	simm.s32 @p2 $0x1082  }
0x22: {  	[simem:s7], [sflag:s8] =	dma.local @!p0 [hbm:s6], $0xF7A  }
0x23: {  	s9 =	sor.u32 $0xD0000000, s2;
	s6 =	simm.s32 $0x108;
	_ =	swait.ge @!p0 [sflag:s8], $0x0  }
0x24: {  	s3 =	sadd.s32 $0x88, s3;
	s6 =	simm.s32 @!p1 $0x1082;
	[sflag:s4] =	ssyncset.s32 $0xFFFFF086  }
0x25: {  	[simem:s6], [sflag:s4] =	dma.local [hbm:s3], $0xF7A  }
0x26: {  	[smem:$0x3F97] =	sst s1;
	(tag) =	ssettag s2;
	_ =	strace s9  }
0x27: {  	s1 =	sld [smem:$0x3FA7]  }
0x28: {  	s2 =	sld [smem:$0x3FA8]  }
0x29: {  	s4 =	sld [smem:$0x3FAA]  }
0x2a: {  	p0 =	seq.s32 s5, $0x0;
	s5 =	sld [smem:$0x3FAB]  }
0x2b: {  	s6 =	sld [smem:$0x3FAC]  }
0x2c: {  	s7 =	sld [smem:$0x3FAD]  }
0x2d: {  	s3 =	simm.s32 $0x108;
	s8 =	sld [smem:$0x3FAE]  }
0x2e: {  	s3 =	simm.s32 @!p0 $0x1082;
	s9 =	sld [smem:$0x3FAF]  }
0x2f: {  	lr =	sadd.s32 s0, s3;
	s0 =	sld [smem:$0x3FA6]  }
0x30: {  	s3 =	sld [smem:$0x3FA9]  }
0x31: {  	[smem:$0x3FB2] =	sst s10  }
0x32: {  	s10 =	sld [smem:$0x3FB0];
	_ =	sdelay $0x3  }
0x33: {  	p0 =	seq.s32 s10, $0x1;
	s10 =	sld [smem:$0x3FB2];
	_ =	sdelay $0x3  }
0x34: {  	[smem:$0x3FB2] =	sst s10  }
0x35: {  	s10 =	sld [smem:$0x3FB1];
	_ =	sdelay $0x3  }
0x36: {  	p1 =	seq.s32 s10, $0x1;
	s10 =	sld [smem:$0x3FB2];
	_ =	sdelay $0x3  }
0x37: {  	[smem:$0x3FB2] =	sst s10  }
0x38: {  	s10 =	sld [smem:$0x3FB3]  }
0x39: {  	_ = 	snop;
	(pc) =	sbr.ind lr, $3  }
0x3a: {  	_ = 	snop  }
0x3b: {  	_ = 	snop  }
0x3c: {  	p2 =	seq.s32 s10, $0x1;
	s10 =	sld [smem:$0x3FB2]  }
0x3d: {  	_ =	shalt  }
0x3e: {  	_ =	shalt  }
0x3f: {  	_ =	shalt  }
0x40: {  	_ =	shalt  }
0x41: {  	_ =	shalt  }
0x42: {  	_ =	shalt  }
0x43: {  	_ =	shalt  }
0x44: {  	_ =	shalt  }
0x45: {  	_ =	shalt  }
0x46: {  	_ =	shalt  }
0x47: {  	_ =	shalt  }
0x48: {  	_ =	shalt  }
0x49: {  	_ =	shalt  }
0x4a: {  	_ =	shalt  }
0x4b: {  	_ =	shalt  }
0x4c: {  	_ =	shalt  }
0x4d: {  	_ =	shalt  }
0x4e: {  	_ =	shalt  }
0x4f: {  	_ =	shalt  }
0x50: {  	_ =	shalt  }
0x51: {  	_ =	shalt  }
0x52: {  	_ =	shalt  }
0x53: {  	_ =	shalt  }
0x54: {  	_ =	shalt  }
0x55: {  	_ =	shalt  }
0x56: {  	_ =	shalt  }
0x57: {  	_ =	shalt  }
0x58: {  	_ =	shalt  }
0x59: {  	_ =	shalt  }
0x5a: {  	_ =	shalt  }
0x5b: {  	_ =	shalt  }
0x5c: {  	_ =	shalt  }
0x5d: {  	_ =	shalt  }
0x5e: {  	_ =	shalt  }
0x5f: {  	_ =	shalt  }
0x60: {  	_ =	shalt  }
0x61: {  	_ =	shalt  }
0x62: {  	_ =	shalt  }
0x63: {  	_ =	shalt  }
0x64: {  	_ =	shalt  }
0x65: {  	_ =	shalt  }
0x66: {  	_ =	shalt  }
0x67: {  	_ =	shalt  }
0x68: {  	_ =	shalt  }
0x69: {  	_ =	shalt  }
0x6a: {  	_ =	shalt  }
0x6b: {  	_ =	shalt  }
0x6c: {  	_ =	shalt  }
0x6d: {  	_ =	shalt  }
0x6e: {  	_ =	shalt  }
0x6f: {  	_ =	shalt  }
0x70: {  	_ =	shalt  }
0x71: {  	_ =	shalt  }
0x72: {  	_ =	shalt  }
0x73: {  	_ =	shalt  }
0x74: {  	_ =	shalt  }
0x75: {  	_ =	shalt  }
0x76: {  	_ =	shalt  }
0x77: {  	_ =	shalt  }
0x78: {  	_ =	shalt  }
0x79: {  	_ =	shalt  }
0x7a: {  	_ =	shalt  }
0x7b: {  	_ =	shalt  }
0x7c: {  	_ =	shalt  }
0x7d: {  	_ =	shalt  }
0x7e: {  	_ =	shalt  }
0x7f: {  	_ =	shalt  }
0x80: {  	_ =	shalt  }
0x81: {  	_ =	shalt  }
0x82: {  	_ =	shalt  }
0x83: {  	_ =	shalt  }
0x84: {  	_ =	shalt  }
0x85: {  	_ =	shalt  }
0x86: {  	_ =	shalt  }
0x87: {  	_ =	shalt  }
.Lfunc_end0:
.L_simem_size_0:
called_computation.1_lowered:
.L_overlay_start_0:
0x88: {  	s2 =	sld [smem:$0x3FD9]  }
0x89: {  	s3 =	sld [smem:$0x3FFE];
	_ =	sdelay $0x1  }
0x8a: {  	s1 =	srdreg.scid  }
0x8b: {  	s0 =	sand.u32 $0x1, s1  }
0x8c: {  	s16 =	sshll.u32 s0, $0xA;
	s2 =	sadd.s32 s3, s2  }
0x8d: {  	s2 =	sadd.s32 s2, s16  }
0x8e: {  	[smem:$0x3FBE] =	sst s2  }
0x8f: {  	_ = 	snop  }
0x90: {  	(tm) =	ssettm $0x1  }
0x91: {  	s17 =	sld [smem:$0x3FFB];
	_ =	sdelay $0x3  }
0x92: {  	_ =	strace s17  }
0x93: {  	s2 =	sld [smem:$0x3FFC];
	_ =	sdelay $0x3  }
0x94: {  	_ =	strace s2  }
0x95: {  	s2 =	sld [smem:$0x3FFD];
	_ =	sdelay $0x3  }
0x96: {  	_ =	strace s2  }
0x97: {  	_ =	strace $0x8FFFFFFF  }
0x98: {  	s18 =	sld [smem:$0x3FDB];
	_ =	sdelay $0x1  }
0x99: {  	s19 =	simm.s32 $_scs_section_size  }
0x9a: {  	s4 =	simm.s32 $_size__tile_overlayer_lowered;
	s5 =	simm.s32 $_tile_overlayer_lowered  }
0x9b: {  	s22 =	simm.s32 $0x1BFF;
	s21 =	sshll.u32 s5, $0x1;
	s2 =	sadd.s32 s19, s18  }
0x9c: {  	s6 =	simm.s32 $0x0;
	s20 =	sshll.u32 s4, $0x1;
	s4 =	sadd.s32 s21, s2  }
0x9d: {  	[timem:s6], [sflag:s22] =	dma.local [hbm:s4], s20  }
0x9e: {  	_ =	swait.ge [sflag:s22], s20  }
0x9f: {  	s3 =	ssub.s32 $0x0, s20;
	[sflag:s22] =	ssyncset.done $0x0  }
0xa0: {  	[sflag:s22] =	ssyncadd.s32 s3;
	_ =	sdelay $0x1  }
0xa1: {  	s23 =	simm.s32 $0x1B8B  }
0xa2: {  	_ =	swait.ge [sflag:s23], $0x1  }
0xa3: {  	[sflag:s23] =	ssyncset.done $0x0  }
0xa4: {  	s25 =	simm.s32 $0x1B8E;
	s24 =	sld [smem:$0x3FFE];
	[sflag:s23] =	ssyncadd.s32 $0xFFFFFFFF  }
0xa5: {  	s26 =	simm.s32 $execute0_lowered;
	[smem:$0x3FD2] =	sst s25  }
0xa6: {  	s4 =	sshll.u32 s26, $0x1;
	_ =	strace $0x80000049;
	[dreg:$0x1] =	wrdreg $0xFFFFFFFF  }
0xa7: {  	s28 =	simm.s32 $_size_execute0_lowered;
	s2 =	sadd.s32 s2, s4;
	[dreg:$0x0] =	wrdreg $0x0  }
0xa8: {  	s4 =	sshll.u32 s28, $0x1;
	[dreg:$0x2] =	wrdreg s2  }
0xa9: {  	[dreg:$0x3] =	wrdreg s4  }
0xaa: {  	[dreg:$0x4] =	wrdreg $0xC0  }
0xab: {  	_ =	task [dreg:s6], $0x5FFFF  }
0xac: {  	[dreg:$0x1] =	wrdreg $0xFFFFFFFF  }
0xad: {  	[dreg:$0x0] =	wrdreg $0x60  }
0xae: {  	[dreg:$0x2] =	wrdreg s24  }
0xaf: {  	[dreg:$0x3] =	wrdreg $0xA9000  }
0xb0: {  	[dreg:$0x4] =	wrdreg $0x9  }
0xb1: {  	_ =	task.clear_ibuf [dreg:s6], $0x5FFFF;
	_ =	strace $0x90000049  }
0xb2: {  	s29 =	simm.s32 $0x9;
	_ =	strace $0x8000004B  }
0xb3: {  	_ =	swait.ge [sflag:s29], $0x1  }
0xb4: {  	[sflag:s29] =	ssyncadd.s32 $0xFFFFFFFF  }
0xb5: {  	_ =	strace $0x9000004B  }
0xb6: {  	_ =	sfence  }
0xb7: {  	s30 =	sld [smem:$0x0];
	_ =	sdelay $0x2  }
0xb8: {  	s31 =	sshll.u32 s1, $0xD;
	s1 =	sshrl.u32 s1, $0x2  }
0xb9: {  	s3 =	sand.u32 $0x4000, s31;
	s1 =	sadd.s32 s1, s30  }
0xba: {  	s0 =	sor.u32 s3, s0;
	s1 =	sshll.u32 s1, $0x11  }
0xbb: {  	s0 =	sor.u32 s1, s0  }
0xbc: {  	s0 =	sadd.s32 $0x8F2B, s0  }
0xbd: {  	[sflag:s0] =	ssyncadd.remote.s32 $0x1  }
0xbe: {  	_ =	sfence.sel $0xFFFF  }
0xbf: {  	[dreg:$0x0] =	wrdreg $0xFFFFFFFF;
	(pc) =	sbr.abs _section_cstart, $3  }
0xc0: {  	[dreg:$0x1] =	wrdreg $0xFFFFFFFF  }
0xc1: {  	_ =	task.clear_ibuf [dreg:s6], $0x2FFFF;
	_ =	strace $0x9FFFFFFF  }
0xc2: {  	(tm) =	ssettm $0x7FFFFFFF  }
0xc3: {  	_ =	shalt  }
tec
execute0_lowered:
.L_overlay_start_1:
0x0: {  	(tag) =	ssettag $0x1  }
0x1: {  	s1 =	srdreg.scid;
	s7 =	rddreg [dreg:$0x0]  }
0x2: {  	s0 =	stileid.u32;
	s2 =	rddreg [dreg:$0x1];
	s3 =	simm.s32 $0x0  }
0x3: {  	s17 =	simm.s32 $0x2900;
	s18 =	simm.s32 $0x2800;
	s19 =	simm.s32 $0x6900  }
0x4: {  	s20 =	simm.s32 $0x2880;
	s21 =	simm.s32 $0x1;
	s22 =	simm.s32 $0x2  }
0x5: {  	s23 =	simm.s32 $0x0;
	s8 =	sand.u32 $0x1, s1;
	s1 =	rddreg [dreg:$0x2]  }
0x6: {  	s29 =	sshll.u32 s0, $0x1;
	[smem:$0x7FF] =	sst s3;
	s10 =	smul.u32 $0x14000, s0  }
0x7: {  	s5 =	sadd.s32 $0x16C00, s7;
	s6 =	sadd.s32 $0x2C00, s7;
	s14 =	smul.u32 $0x50000, s0  }
0x8: {  	s31 =	sshll.u32 s0, $0x6;
	s4 =	sor.u32 s8, s29;
	s12 =	smul.u32 $0x140000, s8  }
0x9: {  	_ =	strace $0x8000004A;
	s8 =	ssub.s32 $0x2, s8;
	s4 =	smul.u32 $0x2800, s4  }
0xa: {  	s13 =	sshrl.u32 s10, $0x3;
	s30 =	sshrl.u32 s8, $0x1;
	s14 =	sshrl.u32 s14, $0x2  }
0xb: {  	s13 =	sadd.s32 s13, s7;
	s10 =	sadd.s32 s10, s12;
	s16 =	ssub.s32 s8, s30  }
0xc: {  	s14 =	sadd.s32 s14, s2;
	s9 =	sshrl.u32 s4, $0x3;
	s10 =	sshrl.u32 s10, $0x3  }
0xd: {  	s14 =	sshrl.u32 s14, $0x3;
	s11 =	sadd.s32 s9, s7;
	s15 =	sadd.s32 s10, s7  }
0xe: {  	s7 =	sadd.s32 $0x3EC00, s13;
	s8 =	sadd.s32 s6, s9;
	s9 =	sor.u32 $0x1C03, s31  }
0xf: {  	s13 =	smax.u32 s16, $0x1;
	s16 =	simm.s32 $0x80;
	s10 =	sadd.s32 $0xCC00, s11  }
0x10: {  	s11 =	sadd.s32 $0x10, s8;
	s12 =	sadd.s32 $0x66C00, s15;
	s15 =	simm.s32 $0x3  }
.LBB2_1:
0x11: {  	[spmem:s14], [sflag:s9] =	dma.local [hbm:s7], $0x2800  }
0x12: {  	_ =	swait.ge [sflag:s15], $0x2800  }
0x13: {  	[sflag:s15] =	ssyncset.done $0x0  }
0x14: {  	[sflag:s15] =	ssyncadd.s32 $0xFFFFD800  }
0x15: {  	[tilespmem:s3], [sflag:$0x3] =	stream.linear.gather [hbm4b:s10+s3], $0x2800, $0x38;
	[tilespmem:$0x1E900] =	vst v63  }
0x16: {  	_ =	swait.ge [sflag:s15], $0x2800  }
0x17: {  	[sflag:s15] =	ssyncset.done $0x0  }
0x18: {  	[sflag:s15] =	ssyncadd.s32 $0xFFFFD800  }
0x19: {  	[bflag:$0x0] =	sbarrier.arrive $0xFFFF  }
0x1a: {  	[tilespmem:s17], [sflag:$0x1] =	stream.indirect.gather [hbm4b:s5+s16], $0x80, s3, s16, $0xb8;
	[tilespmem:$0x1E900] =	vst v63  }
0x1b: {  	_ = 	snop  }
0x1c: {  	[tilespmem:s18], [sflag:$0x1] =	stream.linear.gather [hbm4b:s8+s3], $0x80, $0x38;
	[tilespmem:$0x1E900] =	vst v63  }
0x1d: {  	_ = 	snop  }
0x1e: {  	[tilespmem:s19], [sflag:$0x2] =	stream.indirect.gather [hbm4b:s5+s16], $0x80, s16, s16, $0xb8;
	[tilespmem:$0x1E900] =	vst v63  }
0x1f: {  	_ = 	snop  }
0x20: {  	[tilespmem:s20], [sflag:$0x2] =	stream.linear.gather [hbm4b:s11+s3], $0x80, $0x38;
	[tilespmem:$0x1E900] =	vst v63  }
0x21: {  	_ =	swait.ge [sflag:s21], $0x4000  }
0x22: {  	[sflag:s21] =	ssyncset.done $0x0  }
0x23: {  	[sflag:s21] =	ssyncadd.s32 $0xFFFFC000  }
0x24: {  	_ =	swait.ge [sflag:s21], $0x80  }
0x25: {  	s24 =	simm.s32 $0x100;
	[sflag:s21] =	ssyncset.done $0x0  }
0x26: {  	s25 =	sand.u32 $0x7C00, s24;
	[sflag:s21] =	ssyncadd.s32 $0xFFFFFF80  }
0x27: {  	[spmem:s2] =	stream.indirect.scatter.add.f32 [tilespmem:s17], [sflag:$0x3], $0x80, s18, s16, $0xb8;
	[tilespmem:$0x1E900] =	vst v63  }
0x28: {  	s26 =	sand.u32 $0x300, s24;
	s25 =	sadd.s32 s4, s25;
	_ =	swait.ge [sflag:s15], $0x4000  }
0x29: {  	s25 =	sor.u32 s26, s25;
	[sflag:s15] =	ssyncset.done $0x0  }
0x2a: {  	s24 =	simm.s32 $0x100;
	s25 =	sshrl.u32 s25, $0x3;
	[sflag:s15] =	ssyncadd.s32 $0xFFFFC000  }
0x2b: {  	[tilespmem:s17], [sflag:$0x1] =	stream.indirect.gather [hbm4b:s5+s16], $0x80, s24, s16, $0xb8;
	[tilespmem:$0x1E900] =	vst v63  }
0x2c: {  	s25 =	sadd.s32 s6, s25  }
0x2d: {  	[tilespmem:s18], [sflag:$0x1] =	stream.linear.gather [hbm4b:s25+s3], $0x80, $0x38;
	[tilespmem:$0x1E900] =	vst v63  }
0x2e: {  	_ =	swait.ge [sflag:s22], $0x4000  }
0x2f: {  	[sflag:s22] =	ssyncset.done $0x0  }
0x30: {  	[sflag:s22] =	ssyncadd.s32 $0xFFFFC000  }
0x31: {  	_ =	swait.ge [sflag:s22], $0x80  }
0x32: {  	s30 =	simm.s32 $0x180;
	[sflag:s22] =	ssyncset.done $0x0  }
0x33: {  	s31 =	sand.u32 $0x7C00, s30;
	[sflag:s22] =	ssyncadd.s32 $0xFFFFFF80  }
0x34: {  	[spmem:s2] =	stream.indirect.scatter.add.f32 [tilespmem:s19], [sflag:$0x3], $0x80, s20, s16, $0xb8;
	[tilespmem:$0x1E900] =	vst v63  }
0x35: {  	s26 =	sadd.s32 s4, s31;
	s25 =	sand.u32 $0x380, s30;
	_ =	swait.ge [sflag:s15], $0x4000  }
0x36: {  	s28 =	simm.s32 $0x180;
	s26 =	sor.u32 s25, s26;
	[sflag:s15] =	ssyncset.done $0x0  }
0x37: {  	s25 =	simm.s32 $0x280;
	s26 =	sshrl.u32 s26, $0x3;
	[sflag:s15] =	ssyncadd.s32 $0xFFFFC000  }
0x38: {  	[tilespmem:s19], [sflag:$0x2] =	stream.indirect.gather [hbm4b:s5+s16], $0x80, s28, s16, $0xb8;
	[tilespmem:$0x1E900] =	vst v63  }
.LBB2_2:
0x39: {  	p0 =	sne.s32 s25, $0x2780;
	s26 =	sadd.s32 s6, s26;
	s24 =	sadd.s32 $0x100, s24  }
0x3a: {  	[tilespmem:s20], [sflag:$0x2] =	stream.linear.gather [hbm4b:s26+s3], $0x80, $0x38;
	[tilespmem:$0x1E900] =	vst v63  }
0x3b: {  	s26 =	smov.u32 s25;
	s25 =	sadd.s32 $0x100, s25;
	_ =	swait.ge [sflag:s21], $0x4000  }
0x3c: {  	[sflag:s21] =	ssyncset.done $0x0  }
0x3d: {  	[sflag:s21] =	ssyncadd.s32 $0xFFFFC000  }
0x3e: {  	_ =	swait.ge [sflag:s21], $0x80  }
0x3f: {  	[sflag:s21] =	ssyncset.done $0x0  }
0x40: {  	s28 =	sadd.s32 $0xFFFFFF80, s26;
	[sflag:s21] =	ssyncadd.s32 $0xFFFFFF80  }
0x41: {  	[spmem:s2] =	stream.indirect.scatter.add.f32 [tilespmem:s17], [sflag:$0x3], $0x80, s18, s16, $0xb8;
	[tilespmem:$0x1E900] =	vst v63  }
0x42: {  	s29 =	sand.u32 $0x7C00, s28;
	_ =	swait.ge [sflag:s15], $0x4000  }
0x43: {  	s28 =	sand.u32 $0x300, s28;
	s29 =	sadd.s32 s4, s29;
	[sflag:s15] =	ssyncset.done $0x0  }
0x44: {  	s28 =	sor.u32 s28, s29;
	[sflag:s15] =	ssyncadd.s32 $0xFFFFC000  }
0x45: {  	[tilespmem:s17], [sflag:$0x1] =	stream.indirect.gather [hbm4b:s5+s16], $0x80, s24, s16, $0xb8;
	[tilespmem:$0x1E900] =	vst v63  }
0x46: {  	s28 =	sshrl.u32 s28, $0x3  }
0x47: {  	s28 =	sadd.s32 s6, s28  }
0x48: {  	[tilespmem:s18], [sflag:$0x1] =	stream.linear.gather [hbm4b:s28+s3], $0x80, $0x38;
	[tilespmem:$0x1E900] =	vst v63  }
0x49: {  	_ =	swait.ge [sflag:s22], $0x4000  }
0x4a: {  	[sflag:s22] =	ssyncset.done $0x0  }
0x4b: {  	[sflag:s22] =	ssyncadd.s32 $0xFFFFC000  }
0x4c: {  	_ =	swait.ge [sflag:s22], $0x80  }
0x4d: {  	[sflag:s22] =	ssyncset.done $0x0  }
0x4e: {  	s28 =	sand.u32 $0x7C00, s26;
	[sflag:s22] =	ssyncadd.s32 $0xFFFFFF80  }
0x4f: {  	[spmem:s2] =	stream.indirect.scatter.add.f32 [tilespmem:s19], [sflag:$0x3], $0x80, s20, s16, $0xb8;
	[tilespmem:$0x1E900] =	vst v63  }
.Ltmp0:
0x50: {  	_ = 	snop;
	(pc) =	sbr.rel @p0 .LBB2_2-.Ltmp0, $4  }
0x51: {  	s26 =	sand.u32 $0x380, s26;
	s28 =	sadd.s32 s4, s28;
	_ =	swait.ge [sflag:s15], $0x4000  }
0x52: {  	s26 =	sor.u32 s26, s28;
	[sflag:s15] =	ssyncset.done $0x0  }
0x53: {  	s28 =	sadd.s32 $0x80, s24;
	s26 =	sshrl.u32 s26, $0x3;
	[sflag:s15] =	ssyncadd.s32 $0xFFFFC000  }
0x54: {  	[tilespmem:s19], [sflag:$0x2] =	stream.indirect.gather [hbm4b:s5+s16], $0x80, s28, s16, $0xb8;
	[tilespmem:$0x1E900] =	vst v63  }
0x55: {  	s24 =	sadd.s32 s6, s26  }
0x56: {  	[tilespmem:s20], [sflag:$0x2] =	stream.linear.gather [hbm4b:s24+s3], $0x80, $0x38;
	[tilespmem:$0x1E900] =	vst v63  }
0x57: {  	_ =	swait.ge [sflag:s21], $0x4000  }
0x58: {  	[sflag:s21] =	ssyncset.done $0x0  }
0x59: {  	[sflag:s21] =	ssyncadd.s32 $0xFFFFC000  }
0x5a: {  	_ =	swait.ge [sflag:s21], $0x80  }
0x5b: {  	[sflag:s21] =	ssyncset.done $0x0  }
0x5c: {  	[sflag:s21] =	ssyncadd.s32 $0xFFFFFF80  }
0x5d: {  	[spmem:s2] =	stream.indirect.scatter.add.f32 [tilespmem:s17], [sflag:$0x3], $0x80, s18, s16, $0xb8;
	[tilespmem:$0x1E900] =	vst v63  }
0x5e: {  	_ =	swait.ge [sflag:s15], $0x4000  }
0x5f: {  	[sflag:s15] =	ssyncset.done $0x0  }
0x60: {  	[sflag:s15] =	ssyncadd.s32 $0xFFFFC000  }
0x61: {  	_ =	swait.ge [sflag:s22], $0x4000  }
0x62: {  	[sflag:s22] =	ssyncset.done $0x0  }
0x63: {  	[sflag:s22] =	ssyncadd.s32 $0xFFFFC000  }
0x64: {  	_ =	swait.ge [sflag:s22], $0x80  }
0x65: {  	[sflag:s22] =	ssyncset.done $0x0  }
0x66: {  	[sflag:s22] =	ssyncadd.s32 $0xFFFFFF80  }
0x67: {  	[spmem:s2] =	stream.indirect.scatter.add.f32 [tilespmem:s19], [sflag:$0x3], $0x80, s20, s16, $0xb8;
	[tilespmem:$0x1E900] =	vst v63  }
0x68: {  	_ =	swait.ge [sflag:s15], $0x4000  }
0x69: {  	s23 =	sadd.s32 $0x1, s23;
	[sflag:s15] =	ssyncset.done $0x0  }
0x6a: {  	p0 =	sne.s32 s23, s13;
	[sflag:s15] =	ssyncadd.s32 $0xFFFFC000  }
.Ltmp1:
0x6b: {  	[bflag:$0x0] =	sbarrier.arrive $0xFFFF;
	(pc) =	sbr.rel @p0 .LBB2_1-.Ltmp1, $4  }
0x6c: {  	[hbm:s12], [sflag:s9] =	dma.local [spmem:s14], $0x2800  }
0x6d: {  	_ =	swait.ge [sflag:s15], $0x2800  }
0x6e: {  	[sflag:s15] =	ssyncset.done $0x0  }
0x6f: {  	[sflag:s15] =	ssyncadd.s32 $0xFFFFD800  }
0x70: {  	_ =	sfence.sel $0x180000  }
0x71: {  	[bflag:$0x0] =	sbarrier.arrive $0xFFFF  }
0x72: {  	p0 =	sne.s32 s0, $0x0;
	_ =	strace $0x9000004A  }
0x73: {  	s0 =	sadd.s32 @!p0 $0x100000, s1;
	[bflag:$0x2] =	sbarrier.arrive $0xFFFF  }
0x74: {  	[sflag:s0] =	ssyncadd.tile.s32 @!p0 $0x1;
	_ =	shalt  }
.Lfunc_end2:
_tile_overlayer_lowered:
.L_overlay_start_2:
0x75: {  	(tag) =	ssettag $0x2  }
0x76: {  	s0 =	rddreg [dreg:$0x0];
	s2 =	stileid.u32  }
0x77: {  	s1 =	rddreg [dreg:$0x1];
	p0 =	sne.s32 s2, $0x0  }
0x78: {  	s3 =	rddreg [dreg:$0x2];
	[bflag:$0x3] =	sbarrier.arrive $0xFFFF;
	s2 =	simm.s32 @!p0 $0x1C03  }
0x79: {  	[timem:s3], [sflag:s2] =	dma.local @!p0 [hbm:s0], s1  }
0x7a: {  	s0 =	simm.s32 @!p0 $0x3  }
0x7b: {  	_ =	swait.ge @!p0 [sflag:s0], s1  }
0x7c: {  	s1 =	ssub.s32 @!p0 $0x0, s1;
	[sflag:s0] =	ssyncset.done @!p0 $0x0  }
0x7d: {  	[sflag:s0] =	ssyncadd.s32 @!p0 s1  }
0x7e: {  	[bflag:$0x3] =	sbarrier.arrive $0xFFFF  }
0x7f: {  	_ =	shalt  }

// kernel: kernel.15.cloned.1.call-start
scs
__scs_entry_jumppad:
0x0: {  	(pc) =	sbr.rel $0x88, $3  }
0x1: {  	(tag) =	ssettag $0x0;
	lr =	simm.s32 $0x1  }
0x2: {  	[smem:$0x3F97] =	sst lr;
	_ =	strace $0xD0000000  }
0x3: {  	_ = 	snop  }
0x4: {  	_ = 	snop  }
0x5: {  	_ = 	snop  }
0x6: {  	_ = 	snop  }
0x7: {  	_ = 	snop  }
__scs_overlays_trampoline_lowered:
0x8: {  	[smem:$0x3FA6] =	sst s0  }
0x9: {  	[smem:$0x3FA7] =	sst s1  }
0xa: {  	[smem:$0x3FA8] =	sst s2  }
0xb: {  	[smem:$0x3FA9] =	sst s3  }
0xc: {  	[smem:$0x3FAA] =	sst s4  }
0xd: {  	[smem:$0x3FAB] =	sst s5  }
0xe: {  	[smem:$0x3FAC] =	sst s6  }
0xf: {  	[smem:$0x3FAD] =	sst s7  }
0x10: {  	[smem:$0x3FAE] =	sst s8  }
0x11: {  	[smem:$0x3FAF] =	sst s9;
	s0 =	simm.s32 @!p0 $0x0  }
0x12: {  	s1 =	sld [smem:$0x3F95];
	s0 =	simm.s32 @p0 $0x1  }
0x13: {  	[smem:$0x3FB0] =	sst s0;
	s0 =	simm.s32 @!p1 $0x0  }
0x14: {  	s2 =	sld [smem:$0x3F94];
	s0 =	simm.s32 @p1 $0x1  }
0x15: {  	[smem:$0x3FB1] =	sst s0;
	s0 =	simm.s32 @!p2 $0x0  }
0x16: {  	s3 =	sld [smem:$0x3FDB];
	s0 =	simm.s32 @p2 $0x1  }
0x17: {  	s4 =	simm.s32 $0x1BF5;
	[smem:$0x3FB3] =	sst s0  }
0x18: {  	s0 =	sld [smem:$0x3F96];
	_ =	swait.ge [sflag:s4], $0x0  }
0x19: {  	s7 =	sld [smem:$0x3F97]  }
0x1a: {  	s8 =	sadd.s32 $0xFFFFE003, lr  }
0x1b: {  	s9 =	sadd.s32 $0xFFFFFEF7, lr;
	s5 =	simm.s32 $0xFFFFFFFF;
	p2 =	slt.u32 s8, $0xFFFFF086  }
0x1c: {  	p1 =	slt.u32 s9, $0xF7A;
	s5 =	simm.s32 @!p2 $0x0  }
0x1d: {  	s5 =	simm.s32 @p1 $0x1;
	p0 =	seq.s32 s7, s2  }
0x1e: {  	s7 =	smul.u32 @!p0 $0xF7A, s2;
	p2 =	seq.s32 @!p0 s5, $0x0  }
0x1f: {  	s9 =	smul.u32 $0xF7A, s1;
	s8 =	simm.s32 @!p0 $0x1BF5;
	p2 =	por !p2, p0  }
0x20: {  	[sflag:s8] =	ssyncset.s32 @!p0 $0xFFFFF086;
	s6 =	sadd.s32 @!p0 s3, s7;
	s7 =	simm.s32 @!p0 $0x108  }
0x21: {  	s3 =	sadd.s32 s3, s9;
	s6 =	sadd.s32 @!p0 $0x88, s6;
	s7 =	simm.s32 @p2 $0x1082  }
0x22: {  	[simem:s7], [sflag:s8] =	dma.local @!p0 [hbm:s6], $0xF7A  }
0x23: {  	s9 =	sor.u32 $0xD0000000, s2;
	s6 =	simm.s32 $0x108;
	_ =	swait.ge @!p0 [sflag:s8], $0x0  }
0x24: {  	s3 =	sadd.s32 $0x88, s3;
	s6 =	simm.s32 @!p1 $0x1082;
	[sflag:s4] =	ssyncset.s32 $0xFFFFF086  }
0x25: {  	[simem:s6], [sflag:s4] =	dma.local [hbm:s3], $0xF7A  }
0x26: {  	[smem:$0x3F97] =	sst s1;
	(tag) =	ssettag s2;
	_ =	strace s9  }
0x27: {  	s1 =	sld [smem:$0x3FA7]  }
0x28: {  	s2 =	sld [smem:$0x3FA8]  }
0x29: {  	s4 =	sld [smem:$0x3FAA]  }
0x2a: {  	p0 =	seq.s32 s5, $0x0;
	s5 =	sld [smem:$0x3FAB]  }
0x2b: {  	s6 =	sld [smem:$0x3FAC]  }
0x2c: {  	s7 =	sld [smem:$0x3FAD]  }
0x2d: {  	s3 =	simm.s32 $0x108;
	s8 =	sld [smem:$0x3FAE]  }
0x2e: {  	s3 =	simm.s32 @!p0 $0x1082;
	s9 =	sld [smem:$0x3FAF]  }
0x2f: {  	lr =	sadd.s32 s0, s3;
	s0 =	sld [smem:$0x3FA6]  }
0x30: {  	s3 =	sld [smem:$0x3FA9]  }
0x31: {  	[smem:$0x3FB2] =	sst s10  }
0x32: {  	s10 =	sld [smem:$0x3FB0];
	_ =	sdelay $0x3  }
0x33: {  	p0 =	seq.s32 s10, $0x1;
	s10 =	sld [smem:$0x3FB2];
	_ =	sdelay $0x3  }
0x34: {  	[smem:$0x3FB2] =	sst s10  }
0x35: {  	s10 =	sld [smem:$0x3FB1];
	_ =	sdelay $0x3  }
0x36: {  	p1 =	seq.s32 s10, $0x1;
	s10 =	sld [smem:$0x3FB2];
	_ =	sdelay $0x3  }
0x37: {  	[smem:$0x3FB2] =	sst s10  }
0x38: {  	s10 =	sld [smem:$0x3FB3]  }
0x39: {  	_ = 	snop;
	(pc) =	sbr.ind lr, $3  }
0x3a: {  	_ = 	snop  }
0x3b: {  	_ = 	snop  }
0x3c: {  	p2 =	seq.s32 s10, $0x1;
	s10 =	sld [smem:$0x3FB2]  }
0x3d: {  	_ =	shalt  }
0x3e: {  	_ =	shalt  }
0x3f: {  	_ =	shalt  }
0x40: {  	_ =	shalt  }
0x41: {  	_ =	shalt  }
0x42: {  	_ =	shalt  }
0x43: {  	_ =	shalt  }
0x44: {  	_ =	shalt  }
0x45: {  	_ =	shalt  }
0x46: {  	_ =	shalt  }
0x47: {  	_ =	shalt  }
0x48: {  	_ =	shalt  }
0x49: {  	_ =	shalt  }
0x4a: {  	_ =	shalt  }
0x4b: {  	_ =	shalt  }
0x4c: {  	_ =	shalt  }
0x4d: {  	_ =	shalt  }
0x4e: {  	_ =	shalt  }
0x4f: {  	_ =	shalt  }
0x50: {  	_ =	shalt  }
0x51: {  	_ =	shalt  }
0x52: {  	_ =	shalt  }
0x53: {  	_ =	shalt  }
0x54: {  	_ =	shalt  }
0x55: {  	_ =	shalt  }
0x56: {  	_ =	shalt  }
0x57: {  	_ =	shalt  }
0x58: {  	_ =	shalt  }
0x59: {  	_ =	shalt  }
0x5a: {  	_ =	shalt  }
0x5b: {  	_ =	shalt  }
0x5c: {  	_ =	shalt  }
0x5d: {  	_ =	shalt  }
0x5e: {  	_ =	shalt  }
0x5f: {  	_ =	shalt  }
0x60: {  	_ =	shalt  }
0x61: {  	_ =	shalt  }
0x62: {  	_ =	shalt  }
0x63: {  	_ =	shalt  }
0x64: {  	_ =	shalt  }
0x65: {  	_ =	shalt  }
0x66: {  	_ =	shalt  }
0x67: {  	_ =	shalt  }
0x68: {  	_ =	shalt  }
0x69: {  	_ =	shalt  }
0x6a: {  	_ =	shalt  }
0x6b: {  	_ =	shalt  }
0x6c: {  	_ =	shalt  }
0x6d: {  	_ =	shalt  }
0x6e: {  	_ =	shalt  }
0x6f: {  	_ =	shalt  }
0x70: {  	_ =	shalt  }
0x71: {  	_ =	shalt  }
0x72: {  	_ =	shalt  }
0x73: {  	_ =	shalt  }
0x74: {  	_ =	shalt  }
0x75: {  	_ =	shalt  }
0x76: {  	_ =	shalt  }
0x77: {  	_ =	shalt  }
0x78: {  	_ =	shalt  }
0x79: {  	_ =	shalt  }
0x7a: {  	_ =	shalt  }
0x7b: {  	_ =	shalt  }
0x7c: {  	_ =	shalt  }
0x7d: {  	_ =	shalt  }
0x7e: {  	_ =	shalt  }
0x7f: {  	_ =	shalt  }
0x80: {  	_ =	shalt  }
0x81: {  	_ =	shalt  }
0x82: {  	_ =	shalt  }
0x83: {  	_ =	shalt  }
0x84: {  	_ =	shalt  }
0x85: {  	_ =	shalt  }
0x86: {  	_ =	shalt  }
0x87: {  	_ =	shalt  }
.Lfunc_end0:
.L_simem_size_0:
called_computation.2_lowered:
.L_overlay_start_0:
0x88: {  	s2 =	sld [smem:$0x3FD9]  }
0x89: {  	s3 =	sld [smem:$0x3FFE];
	_ =	sdelay $0x1  }
0x8a: {  	s1 =	srdreg.scid  }
0x8b: {  	s0 =	sand.u32 $0x1, s1  }
0x8c: {  	s16 =	sshll.u32 s0, $0xA;
	s2 =	sadd.s32 s3, s2  }
0x8d: {  	s2 =	sadd.s32 s2, s16  }
0x8e: {  	[smem:$0x3FBE] =	sst s2  }
0x8f: {  	_ = 	snop  }
0x90: {  	(tm) =	ssettm $0x1  }
0x91: {  	s17 =	sld [smem:$0x3FFB];
	_ =	sdelay $0x3  }
0x92: {  	_ =	strace s17  }
0x93: {  	s2 =	sld [smem:$0x3FFC];
	_ =	sdelay $0x3  }
0x94: {  	_ =	strace s2  }
0x95: {  	s2 =	sld [smem:$0x3FFD];
	_ =	sdelay $0x3  }
0x96: {  	_ =	strace s2  }
0x97: {  	_ =	strace $0x8FFFFFFF  }
0x98: {  	s18 =	sld [smem:$0x3FDB];
	_ =	sdelay $0x1  }
0x99: {  	s19 =	simm.s32 $_scs_section_size  }
0x9a: {  	s4 =	simm.s32 $_size__tile_overlayer_lowered;
	s5 =	simm.s32 $_tile_overlayer_lowered  }
0x9b: {  	s22 =	simm.s32 $0x1BFF;
	s21 =	sshll.u32 s5, $0x1;
	s2 =	sadd.s32 s19, s18  }
0x9c: {  	s6 =	simm.s32 $0x0;
	s20 =	sshll.u32 s4, $0x1;
	s4 =	sadd.s32 s21, s2  }
0x9d: {  	[timem:s6], [sflag:s22] =	dma.local [hbm:s4], s20  }
0x9e: {  	_ =	swait.ge [sflag:s22], s20  }
0x9f: {  	s3 =	ssub.s32 $0x0, s20;
	[sflag:s22] =	ssyncset.done $0x0  }
0xa0: {  	[sflag:s22] =	ssyncadd.s32 s3;
	_ =	sdelay $0x1  }
0xa1: {  	s23 =	simm.s32 $0x1B8B  }
0xa2: {  	_ =	swait.ge [sflag:s23], $0x1  }
0xa3: {  	[sflag:s23] =	ssyncset.done $0x0  }
0xa4: {  	s25 =	simm.s32 $0x1B8E;
	s24 =	sld [smem:$0x3FFE];
	[sflag:s23] =	ssyncadd.s32 $0xFFFFFFFF  }
0xa5: {  	s26 =	simm.s32 $execute0_lowered;
	[smem:$0x3FD2] =	sst s25  }
0xa6: {  	s4 =	sshll.u32 s26, $0x1;
	_ =	strace $0x8000004C;
	[dreg:$0x1] =	wrdreg $0xFFFFFFFF  }
0xa7: {  	s28 =	simm.s32 $_size_execute0_lowered;
	s2 =	sadd.s32 s2, s4;
	[dreg:$0x0] =	wrdreg $0x0  }
0xa8: {  	s4 =	sshll.u32 s28, $0x1;
	[dreg:$0x2] =	wrdreg s2  }
0xa9: {  	[dreg:$0x3] =	wrdreg s4  }
0xaa: {  	[dreg:$0x4] =	wrdreg $0xC0  }
0xab: {  	_ =	task [dreg:s6], $0x5FFFF  }
0xac: {  	[dreg:$0x1] =	wrdreg $0xFFFFFFFF  }
0xad: {  	[dreg:$0x0] =	wrdreg $0x60  }
0xae: {  	[dreg:$0x2] =	wrdreg s24  }
0xaf: {  	[dreg:$0x3] =	wrdreg $0xA9000  }
0xb0: {  	[dreg:$0x4] =	wrdreg $0x9  }
0xb1: {  	_ =	task.clear_ibuf [dreg:s6], $0x5FFFF;
	_ =	strace $0x9000004C  }
0xb2: {  	s29 =	simm.s32 $0x9;
	_ =	strace $0x8000004E  }
0xb3: {  	_ =	swait.ge [sflag:s29], $0x1  }
0xb4: {  	[sflag:s29] =	ssyncadd.s32 $0xFFFFFFFF  }
0xb5: {  	_ =	strace $0x9000004E  }
0xb6: {  	_ =	sfence  }
0xb7: {  	s30 =	sld [smem:$0x0];
	_ =	sdelay $0x2  }
0xb8: {  	s31 =	sshll.u32 s1, $0xD;
	s1 =	sshrl.u32 s1, $0x2  }
0xb9: {  	s3 =	sand.u32 $0x4000, s31;
	s1 =	sadd.s32 s1, s30  }
0xba: {  	s0 =	sor.u32 s3, s0;
	s1 =	sshll.u32 s1, $0x11  }
0xbb: {  	s0 =	sor.u32 s1, s0  }
0xbc: {  	s0 =	sadd.s32 $0x8F2B, s0  }
0xbd: {  	[sflag:s0] =	ssyncadd.remote.s32 $0x1  }
0xbe: {  	_ =	sfence.sel $0xFFFF  }
0xbf: {  	[dreg:$0x0] =	wrdreg $0xFFFFFFFF;
	(pc) =	sbr.abs _section_cstart, $3  }
0xc0: {  	[dreg:$0x1] =	wrdreg $0xFFFFFFFF  }
0xc1: {  	_ =	task.clear_ibuf [dreg:s6], $0x2FFFF;
	_ =	strace $0x9FFFFFFF  }
0xc2: {  	(tm) =	ssettm $0x7FFFFFFF  }
0xc3: {  	_ =	shalt  }
tec
execute0_lowered:
.L_overlay_start_1:
0x0: {  	(tag) =	ssettag $0x1  }
0x1: {  	s1 =	srdreg.scid;
	s7 =	rddreg [dreg:$0x0]  }
0x2: {  	s0 =	stileid.u32;
	s2 =	rddreg [dreg:$0x1];
	s3 =	simm.s32 $0x0  }
0x3: {  	s17 =	simm.s32 $0x2900;
	s18 =	simm.s32 $0x2800;
	s19 =	simm.s32 $0x6900  }
0x4: {  	s20 =	simm.s32 $0x2880;
	s21 =	simm.s32 $0x1;
	s22 =	simm.s32 $0x2  }
0x5: {  	s23 =	simm.s32 $0x0;
	s8 =	sand.u32 $0x1, s1;
	s1 =	rddreg [dreg:$0x2]  }
0x6: {  	s29 =	sshll.u32 s0, $0x1;
	[smem:$0x7FF] =	sst s3;
	s10 =	smul.u32 $0x14000, s0  }
0x7: {  	s5 =	sadd.s32 $0x16C00, s7;
	s6 =	sadd.s32 $0x2C00, s7;
	s14 =	smul.u32 $0x50000, s0  }
0x8: {  	s31 =	sshll.u32 s0, $0x6;
	s4 =	sor.u32 s8, s29;
	s12 =	smul.u32 $0x140000, s8  }
0x9: {  	_ =	strace $0x8000004D;
	s8 =	ssub.s32 $0x2, s8;
	s4 =	smul.u32 $0x2800, s4  }
0xa: {  	s13 =	sshrl.u32 s10, $0x3;
	s30 =	sshrl.u32 s8, $0x1;
	s14 =	sshrl.u32 s14, $0x2  }
0xb: {  	s13 =	sadd.s32 s13, s7;
	s10 =	sadd.s32 s10, s12;
	s16 =	ssub.s32 s8, s30  }
0xc: {  	s14 =	sadd.s32 s14, s2;
	s9 =	sshrl.u32 s4, $0x3;
	s10 =	sshrl.u32 s10, $0x3  }
0xd: {  	s14 =	sshrl.u32 s14, $0x3;
	s11 =	sadd.s32 s9, s7;
	s15 =	sadd.s32 s10, s7  }
0xe: {  	s7 =	sadd.s32 $0x3EC00, s13;
	s8 =	sadd.s32 s6, s9;
	s9 =	sor.u32 $0x1C03, s31  }
0xf: {  	s13 =	smax.u32 s16, $0x1;
	s16 =	simm.s32 $0x80;
	s10 =	sadd.s32 $0xCC00, s11  }
0x10: {  	s11 =	sadd.s32 $0x10, s8;
	s12 =	sadd.s32 $0x66C00, s15;
	s15 =	simm.s32 $0x3  }
.LBB2_1:
0x11: {  	[spmem:s14], [sflag:s9] =	dma.local [hbm:s7], $0x2800  }
0x12: {  	_ =	swait.ge [sflag:s15], $0x2800  }
0x13: {  	[sflag:s15] =	ssyncset.done $0x0  }
0x14: {  	[sflag:s15] =	ssyncadd.s32 $0xFFFFD800  }
0x15: {  	[tilespmem:s3], [sflag:$0x3] =	stream.linear.gather [hbm4b:s10+s3], $0x2800, $0x38;
	[tilespmem:$0x1E900] =	vst v63  }
0x16: {  	_ =	swait.ge [sflag:s15], $0x2800  }
0x17: {  	[sflag:s15] =	ssyncset.done $0x0  }
0x18: {  	[sflag:s15] =	ssyncadd.s32 $0xFFFFD800  }
0x19: {  	[bflag:$0x0] =	sbarrier.arrive $0xFFFF  }
0x1a: {  	[tilespmem:s17], [sflag:$0x1] =	stream.indirect.gather [hbm4b:s5+s16], $0x80, s3, s16, $0xb8;
	[tilespmem:$0x1E900] =	vst v63  }
0x1b: {  	_ = 	snop  }
0x1c: {  	[tilespmem:s18], [sflag:$0x1] =	stream.linear.gather [hbm4b:s8+s3], $0x80, $0x38;
	[tilespmem:$0x1E900] =	vst v63  }
0x1d: {  	_ = 	snop  }
0x1e: {  	[tilespmem:s19], [sflag:$0x2] =	stream.indirect.gather [hbm4b:s5+s16], $0x80, s16, s16, $0xb8;
	[tilespmem:$0x1E900] =	vst v63  }
0x1f: {  	_ = 	snop  }
0x20: {  	[tilespmem:s20], [sflag:$0x2] =	stream.linear.gather [hbm4b:s11+s3], $0x80, $0x38;
	[tilespmem:$0x1E900] =	vst v63  }
0x21: {  	_ =	swait.ge [sflag:s21], $0x4000  }
0x22: {  	[sflag:s21] =	ssyncset.done $0x0  }
0x23: {  	[sflag:s21] =	ssyncadd.s32 $0xFFFFC000  }
0x24: {  	_ =	swait.ge [sflag:s21], $0x80  }
0x25: {  	s24 =	simm.s32 $0x100;
	[sflag:s21] =	ssyncset.done $0x0  }
0x26: {  	s25 =	sand.u32 $0x7C00, s24;
	[sflag:s21] =	ssyncadd.s32 $0xFFFFFF80  }
0x27: {  	[spmem:s2] =	stream.indirect.scatter.add.f32 [tilespmem:s17], [sflag:$0x3], $0x80, s18, s16, $0xb8;
	[tilespmem:$0x1E900] =	vst v63  }
0x28: {  	s26 =	sand.u32 $0x300, s24;
	s25 =	sadd.s32 s4, s25;
	_ =	swait.ge [sflag:s15], $0x4000  }
0x29: {  	s25 =	sor.u32 s26, s25;
	[sflag:s15] =	ssyncset.done $0x0  }
0x2a: {  	s24 =	simm.s32 $0x100;
	s25 =	sshrl.u32 s25, $0x3;
	[sflag:s15] =	ssyncadd.s32 $0xFFFFC000  }
0x2b: {  	[tilespmem:s17], [sflag:$0x1] =	stream.indirect.gather [hbm4b:s5+s16], $0x80, s24, s16, $0xb8;
	[tilespmem:$0x1E900] =	vst v63  }
0x2c: {  	s25 =	sadd.s32 s6, s25  }
0x2d: {  	[tilespmem:s18], [sflag:$0x1] =	stream.linear.gather [hbm4b:s25+s3], $0x80, $0x38;
	[tilespmem:$0x1E900] =	vst v63  }
0x2e: {  	_ =	swait.ge [sflag:s22], $0x4000  }
0x2f: {  	[sflag:s22] =	ssyncset.done $0x0  }
0x30: {  	[sflag:s22] =	ssyncadd.s32 $0xFFFFC000  }
0x31: {  	_ =	swait.ge [sflag:s22], $0x80  }
0x32: {  	s30 =	simm.s32 $0x180;
	[sflag:s22] =	ssyncset.done $0x0  }
0x33: {  	s31 =	sand.u32 $0x7C00, s30;
	[sflag:s22] =	ssyncadd.s32 $0xFFFFFF80  }
0x34: {  	[spmem:s2] =	stream.indirect.scatter.add.f32 [tilespmem:s19], [sflag:$0x3], $0x80, s20, s16, $0xb8;
	[tilespmem:$0x1E900] =	vst v63  }
0x35: {  	s26 =	sadd.s32 s4, s31;
	s25 =	sand.u32 $0x380, s30;
	_ =	swait.ge [sflag:s15], $0x4000  }
0x36: {  	s28 =	simm.s32 $0x180;
	s26 =	sor.u32 s25, s26;
	[sflag:s15] =	ssyncset.done $0x0  }
0x37: {  	s25 =	simm.s32 $0x280;
	s26 =	sshrl.u32 s26, $0x3;
	[sflag:s15] =	ssyncadd.s32 $0xFFFFC000  }
0x38: {  	[tilespmem:s19], [sflag:$0x2] =	stream.indirect.gather [hbm4b:s5+s16], $0x80, s28, s16, $0xb8;
	[tilespmem:$0x1E900] =	vst v63  }
.LBB2_2:
0x39: {  	p0 =	sne.s32 s25, $0x2780;
	s26 =	sadd.s32 s6, s26;
	s24 =	sadd.s32 $0x100, s24  }
0x3a: {  	[tilespmem:s20], [sflag:$0x2] =	stream.linear.gather [hbm4b:s26+s3], $0x80, $0x38;
	[tilespmem:$0x1E900] =	vst v63  }
0x3b: {  	s26 =	smov.u32 s25;
	s25 =	sadd.s32 $0x100, s25;
	_ =	swait.ge [sflag:s21], $0x4000  }
0x3c: {  	[sflag:s21] =	ssyncset.done $0x0  }
0x3d: {  	[sflag:s21] =	ssyncadd.s32 $0xFFFFC000  }
0x3e: {  	_ =	swait.ge [sflag:s21], $0x80  }
0x3f: {  	[sflag:s21] =	ssyncset.done $0x0  }
0x40: {  	s28 =	sadd.s32 $0xFFFFFF80, s26;
	[sflag:s21] =	ssyncadd.s32 $0xFFFFFF80  }
0x41: {  	[spmem:s2] =	stream.indirect.scatter.add.f32 [tilespmem:s17], [sflag:$0x3], $0x80, s18, s16, $0xb8;
	[tilespmem:$0x1E900] =	vst v63  }
0x42: {  	s29 =	sand.u32 $0x7C00, s28;
	_ =	swait.ge [sflag:s15], $0x4000  }
0x43: {  	s28 =	sand.u32 $0x300, s28;
	s29 =	sadd.s32 s4, s29;
	[sflag:s15] =	ssyncset.done $0x0  }
0x44: {  	s28 =	sor.u32 s28, s29;
	[sflag:s15] =	ssyncadd.s32 $0xFFFFC000  }
0x45: {  	[tilespmem:s17], [sflag:$0x1] =	stream.indirect.gather [hbm4b:s5+s16], $0x80, s24, s16, $0xb8;
	[tilespmem:$0x1E900] =	vst v63  }
0x46: {  	s28 =	sshrl.u32 s28, $0x3  }
0x47: {  	s28 =	sadd.s32 s6, s28  }
0x48: {  	[tilespmem:s18], [sflag:$0x1] =	stream.linear.gather [hbm4b:s28+s3], $0x80, $0x38;
	[tilespmem:$0x1E900] =	vst v63  }
0x49: {  	_ =	swait.ge [sflag:s22], $0x4000  }
0x4a: {  	[sflag:s22] =	ssyncset.done $0x0  }
0x4b: {  	[sflag:s22] =	ssyncadd.s32 $0xFFFFC000  }
0x4c: {  	_ =	swait.ge [sflag:s22], $0x80  }
0x4d: {  	[sflag:s22] =	ssyncset.done $0x0  }
0x4e: {  	s28 =	sand.u32 $0x7C00, s26;
	[sflag:s22] =	ssyncadd.s32 $0xFFFFFF80  }
0x4f: {  	[spmem:s2] =	stream.indirect.scatter.add.f32 [tilespmem:s19], [sflag:$0x3], $0x80, s20, s16, $0xb8;
	[tilespmem:$0x1E900] =	vst v63  }
.Ltmp0:
0x50: {  	_ = 	snop;
	(pc) =	sbr.rel @p0 .LBB2_2-.Ltmp0, $4  }
0x51: {  	s26 =	sand.u32 $0x380, s26;
	s28 =	sadd.s32 s4, s28;
	_ =	swait.ge [sflag:s15], $0x4000  }
0x52: {  	s26 =	sor.u32 s26, s28;
	[sflag:s15] =	ssyncset.done $0x0  }
0x53: {  	s28 =	sadd.s32 $0x80, s24;
	s26 =	sshrl.u32 s26, $0x3;
	[sflag:s15] =	ssyncadd.s32 $0xFFFFC000  }
0x54: {  	[tilespmem:s19], [sflag:$0x2] =	stream.indirect.gather [hbm4b:s5+s16], $0x80, s28, s16, $0xb8;
	[tilespmem:$0x1E900] =	vst v63  }
0x55: {  	s24 =	sadd.s32 s6, s26  }
0x56: {  	[tilespmem:s20], [sflag:$0x2] =	stream.linear.gather [hbm4b:s24+s3], $0x80, $0x38;
	[tilespmem:$0x1E900] =	vst v63  }
0x57: {  	_ =	swait.ge [sflag:s21], $0x4000  }
0x58: {  	[sflag:s21] =	ssyncset.done $0x0  }
0x59: {  	[sflag:s21] =	ssyncadd.s32 $0xFFFFC000  }
0x5a: {  	_ =	swait.ge [sflag:s21], $0x80  }
0x5b: {  	[sflag:s21] =	ssyncset.done $0x0  }
0x5c: {  	[sflag:s21] =	ssyncadd.s32 $0xFFFFFF80  }
0x5d: {  	[spmem:s2] =	stream.indirect.scatter.add.f32 [tilespmem:s17], [sflag:$0x3], $0x80, s18, s16, $0xb8;
	[tilespmem:$0x1E900] =	vst v63  }
0x5e: {  	_ =	swait.ge [sflag:s15], $0x4000  }
0x5f: {  	[sflag:s15] =	ssyncset.done $0x0  }
0x60: {  	[sflag:s15] =	ssyncadd.s32 $0xFFFFC000  }
0x61: {  	_ =	swait.ge [sflag:s22], $0x4000  }
0x62: {  	[sflag:s22] =	ssyncset.done $0x0  }
0x63: {  	[sflag:s22] =	ssyncadd.s32 $0xFFFFC000  }
0x64: {  	_ =	swait.ge [sflag:s22], $0x80  }
0x65: {  	[sflag:s22] =	ssyncset.done $0x0  }
0x66: {  	[sflag:s22] =	ssyncadd.s32 $0xFFFFFF80  }
0x67: {  	[spmem:s2] =	stream.indirect.scatter.add.f32 [tilespmem:s19], [sflag:$0x3], $0x80, s20, s16, $0xb8;
	[tilespmem:$0x1E900] =	vst v63  }
0x68: {  	_ =	swait.ge [sflag:s15], $0x4000  }
0x69: {  	s23 =	sadd.s32 $0x1, s23;
	[sflag:s15] =	ssyncset.done $0x0  }
0x6a: {  	p0 =	sne.s32 s23, s13;
	[sflag:s15] =	ssyncadd.s32 $0xFFFFC000  }
.Ltmp1:
0x6b: {  	[bflag:$0x0] =	sbarrier.arrive $0xFFFF;
	(pc) =	sbr.rel @p0 .LBB2_1-.Ltmp1, $4  }
0x6c: {  	[hbm:s12], [sflag:s9] =	dma.local [spmem:s14], $0x2800  }
0x6d: {  	_ =	swait.ge [sflag:s15], $0x2800  }
0x6e: {  	[sflag:s15] =	ssyncset.done $0x0  }
0x6f: {  	[sflag:s15] =	ssyncadd.s32 $0xFFFFD800  }
0x70: {  	_ =	sfence.sel $0x180000  }
0x71: {  	[bflag:$0x0] =	sbarrier.arrive $0xFFFF  }
0x72: {  	p0 =	sne.s32 s0, $0x0;
	_ =	strace $0x9000004D  }
0x73: {  	s0 =	sadd.s32 @!p0 $0x100000, s1;
	[bflag:$0x2] =	sbarrier.arrive $0xFFFF  }
0x74: {  	[sflag:s0] =	ssyncadd.tile.s32 @!p0 $0x1;
	_ =	shalt  }
.Lfunc_end2:
_tile_overlayer_lowered:
.L_overlay_start_2:
0x75: {  	(tag) =	ssettag $0x2  }
0x76: {  	s0 =	rddreg [dreg:$0x0];
	s2 =	stileid.u32  }
0x77: {  	s1 =	rddreg [dreg:$0x1];
	p0 =	sne.s32 s2, $0x0  }
0x78: {  	s3 =	rddreg [dreg:$0x2];
	[bflag:$0x3] =	sbarrier.arrive $0xFFFF;
	s2 =	simm.s32 @!p0 $0x1C03  }
0x79: {  	[timem:s3], [sflag:s2] =	dma.local @!p0 [hbm:s0], s1  }
0x7a: {  	s0 =	simm.s32 @!p0 $0x3  }
0x7b: {  	_ =	swait.ge @!p0 [sflag:s0], s1  }
0x7c: {  	s1 =	ssub.s32 @!p0 $0x0, s1;
	[sflag:s0] =	ssyncset.done @!p0 $0x0  }
0x7d: {  	[sflag:s0] =	ssyncadd.s32 @!p0 s1  }
0x7e: {  	[bflag:$0x3] =	sbarrier.arrive $0xFFFF  }
0x7f: {  	_ =	shalt  }

// kernel: kernel.9.cloned.1.call-start
scs
__scs_entry_jumppad:
0x0: {  	(pc) =	sbr.rel $0x88, $3  }
0x1: {  	(tag) =	ssettag $0x0;
	lr =	simm.s32 $0x1  }
0x2: {  	[smem:$0x3F97] =	sst lr;
	_ =	strace $0xD0000000  }
0x3: {  	_ = 	snop  }
0x4: {  	_ = 	snop  }
0x5: {  	_ = 	snop  }
0x6: {  	_ = 	snop  }
0x7: {  	_ = 	snop  }
__scs_overlays_trampoline_lowered:
0x8: {  	[smem:$0x3FA6] =	sst s0  }
0x9: {  	[smem:$0x3FA7] =	sst s1  }
0xa: {  	[smem:$0x3FA8] =	sst s2  }
0xb: {  	[smem:$0x3FA9] =	sst s3  }
0xc: {  	[smem:$0x3FAA] =	sst s4  }
0xd: {  	[smem:$0x3FAB] =	sst s5  }
0xe: {  	[smem:$0x3FAC] =	sst s6  }
0xf: {  	[smem:$0x3FAD] =	sst s7  }
0x10: {  	[smem:$0x3FAE] =	sst s8  }
0x11: {  	[smem:$0x3FAF] =	sst s9;
	s0 =	simm.s32 @!p0 $0x0  }
0x12: {  	s1 =	sld [smem:$0x3F95];
	s0 =	simm.s32 @p0 $0x1  }
0x13: {  	[smem:$0x3FB0] =	sst s0;
	s0 =	simm.s32 @!p1 $0x0  }
0x14: {  	s2 =	sld [smem:$0x3F94];
	s0 =	simm.s32 @p1 $0x1  }
0x15: {  	[smem:$0x3FB1] =	sst s0;
	s0 =	simm.s32 @!p2 $0x0  }
0x16: {  	s3 =	sld [smem:$0x3FDB];
	s0 =	simm.s32 @p2 $0x1  }
0x17: {  	s4 =	simm.s32 $0x1BF5;
	[smem:$0x3FB3] =	sst s0  }
0x18: {  	s0 =	sld [smem:$0x3F96];
	_ =	swait.ge [sflag:s4], $0x0  }
0x19: {  	s7 =	sld [smem:$0x3F97]  }
0x1a: {  	s8 =	sadd.s32 $0xFFFFE003, lr  }
0x1b: {  	s9 =	sadd.s32 $0xFFFFFEF7, lr;
	s5 =	simm.s32 $0xFFFFFFFF;
	p2 =	slt.u32 s8, $0xFFFFF086  }
0x1c: {  	p1 =	slt.u32 s9, $0xF7A;
	s5 =	simm.s32 @!p2 $0x0  }
0x1d: {  	s5 =	simm.s32 @p1 $0x1;
	p0 =	seq.s32 s7, s2  }
0x1e: {  	s7 =	smul.u32 @!p0 $0xF7A, s2;
	p2 =	seq.s32 @!p0 s5, $0x0  }
0x1f: {  	s9 =	smul.u32 $0xF7A, s1;
	s8 =	simm.s32 @!p0 $0x1BF5;
	p2 =	por !p2, p0  }
0x20: {  	[sflag:s8] =	ssyncset.s32 @!p0 $0xFFFFF086;
	s6 =	sadd.s32 @!p0 s3, s7;
	s7 =	simm.s32 @!p0 $0x108  }
0x21: {  	s3 =	sadd.s32 s3, s9;
	s6 =	sadd.s32 @!p0 $0x88, s6;
	s7 =	simm.s32 @p2 $0x1082  }
0x22: {  	[simem:s7], [sflag:s8] =	dma.local @!p0 [hbm:s6], $0xF7A  }
0x23: {  	s9 =	sor.u32 $0xD0000000, s2;
	s6 =	simm.s32 $0x108;
	_ =	swait.ge @!p0 [sflag:s8], $0x0  }
0x24: {  	s3 =	sadd.s32 $0x88, s3;
	s6 =	simm.s32 @!p1 $0x1082;
	[sflag:s4] =	ssyncset.s32 $0xFFFFF086  }
0x25: {  	[simem:s6], [sflag:s4] =	dma.local [hbm:s3], $0xF7A  }
0x26: {  	[smem:$0x3F97] =	sst s1;
	(tag) =	ssettag s2;
	_ =	strace s9  }
0x27: {  	s1 =	sld [smem:$0x3FA7]  }
0x28: {  	s2 =	sld [smem:$0x3FA8]  }
0x29: {  	s4 =	sld [smem:$0x3FAA]  }
0x2a: {  	p0 =	seq.s32 s5, $0x0;
	s5 =	sld [smem:$0x3FAB]  }
0x2b: {  	s6 =	sld [smem:$0x3FAC]  }
0x2c: {  	s7 =	sld [smem:$0x3FAD]  }
0x2d: {  	s3 =	simm.s32 $0x108;
	s8 =	sld [smem:$0x3FAE]  }
0x2e: {  	s3 =	simm.s32 @!p0 $0x1082;
	s9 =	sld [smem:$0x3FAF]  }
0x2f: {  	lr =	sadd.s32 s0, s3;
	s0 =	sld [smem:$0x3FA6]  }
0x30: {  	s3 =	sld [smem:$0x3FA9]  }
0x31: {  	[smem:$0x3FB2] =	sst s10  }
0x32: {  	s10 =	sld [smem:$0x3FB0];
	_ =	sdelay $0x3  }
0x33: {  	p0 =	seq.s32 s10, $0x1;
	s10 =	sld [smem:$0x3FB2];
	_ =	sdelay $0x3  }
0x34: {  	[smem:$0x3FB2] =	sst s10  }
0x35: {  	s10 =	sld [smem:$0x3FB1];
	_ =	sdelay $0x3  }
0x36: {  	p1 =	seq.s32 s10, $0x1;
	s10 =	sld [smem:$0x3FB2];
	_ =	sdelay $0x3  }
0x37: {  	[smem:$0x3FB2] =	sst s10  }
0x38: {  	s10 =	sld [smem:$0x3FB3]  }
0x39: {  	_ = 	snop;
	(pc) =	sbr.ind lr, $3  }
0x3a: {  	_ = 	snop  }
0x3b: {  	_ = 	snop  }
0x3c: {  	p2 =	seq.s32 s10, $0x1;
	s10 =	sld [smem:$0x3FB2]  }
0x3d: {  	_ =	shalt  }
0x3e: {  	_ =	shalt  }
0x3f: {  	_ =	shalt  }
0x40: {  	_ =	shalt  }
0x41: {  	_ =	shalt  }
0x42: {  	_ =	shalt  }
0x43: {  	_ =	shalt  }
0x44: {  	_ =	shalt  }
0x45: {  	_ =	shalt  }
0x46: {  	_ =	shalt  }
0x47: {  	_ =	shalt  }
0x48: {  	_ =	shalt  }
0x49: {  	_ =	shalt  }
0x4a: {  	_ =	shalt  }
0x4b: {  	_ =	shalt  }
0x4c: {  	_ =	shalt  }
0x4d: {  	_ =	shalt  }
0x4e: {  	_ =	shalt  }
0x4f: {  	_ =	shalt  }
0x50: {  	_ =	shalt  }
0x51: {  	_ =	shalt  }
0x52: {  	_ =	shalt  }
0x53: {  	_ =	shalt  }
0x54: {  	_ =	shalt  }
0x55: {  	_ =	shalt  }
0x56: {  	_ =	shalt  }
0x57: {  	_ =	shalt  }
0x58: {  	_ =	shalt  }
0x59: {  	_ =	shalt  }
0x5a: {  	_ =	shalt  }
0x5b: {  	_ =	shalt  }
0x5c: {  	_ =	shalt  }
0x5d: {  	_ =	shalt  }
0x5e: {  	_ =	shalt  }
0x5f: {  	_ =	shalt  }
0x60: {  	_ =	shalt  }
0x61: {  	_ =	shalt  }
0x62: {  	_ =	shalt  }
0x63: {  	_ =	shalt  }
0x64: {  	_ =	shalt  }
0x65: {  	_ =	shalt  }
0x66: {  	_ =	shalt  }
0x67: {  	_ =	shalt  }
0x68: {  	_ =	shalt  }
0x69: {  	_ =	shalt  }
0x6a: {  	_ =	shalt  }
0x6b: {  	_ =	shalt  }
0x6c: {  	_ =	shalt  }
0x6d: {  	_ =	shalt  }
0x6e: {  	_ =	shalt  }
0x6f: {  	_ =	shalt  }
0x70: {  	_ =	shalt  }
0x71: {  	_ =	shalt  }
0x72: {  	_ =	shalt  }
0x73: {  	_ =	shalt  }
0x74: {  	_ =	shalt  }
0x75: {  	_ =	shalt  }
0x76: {  	_ =	shalt  }
0x77: {  	_ =	shalt  }
0x78: {  	_ =	shalt  }
0x79: {  	_ =	shalt  }
0x7a: {  	_ =	shalt  }
0x7b: {  	_ =	shalt  }
0x7c: {  	_ =	shalt  }
0x7d: {  	_ =	shalt  }
0x7e: {  	_ =	shalt  }
0x7f: {  	_ =	shalt  }
0x80: {  	_ =	shalt  }
0x81: {  	_ =	shalt  }
0x82: {  	_ =	shalt  }
0x83: {  	_ =	shalt  }
0x84: {  	_ =	shalt  }
0x85: {  	_ =	shalt  }
0x86: {  	_ =	shalt  }
0x87: {  	_ =	shalt  }
.Lfunc_end0:
.L_simem_size_0:
called_computation_lowered:
.L_overlay_start_0:
0x88: {  	s2 =	sld [smem:$0x3FD9]  }
0x89: {  	s3 =	sld [smem:$0x3FFE];
	_ =	sdelay $0x1  }
0x8a: {  	s1 =	srdreg.scid  }
0x8b: {  	s0 =	sand.u32 $0x1, s1  }
0x8c: {  	s17 =	sshll.u32 s0, $0xA;
	s2 =	sadd.s32 s3, s2  }
0x8d: {  	s2 =	sadd.s32 s2, s17  }
0x8e: {  	[smem:$0x3FBE] =	sst s2  }
0x8f: {  	_ = 	snop  }
0x90: {  	s2 =	sld [smem:$0x3FD0];
	(tm) =	ssettm $0x1  }
0x91: {  	s18 =	sld [smem:$0x3FFB];
	_ =	sdelay $0x3  }
0x92: {  	_ =	strace s18  }
0x93: {  	s3 =	sld [smem:$0x3FFC];
	_ =	sdelay $0x3  }
0x94: {  	_ =	strace s3  }
0x95: {  	s3 =	sld [smem:$0x3FFD];
	_ =	sdelay $0x3  }
0x96: {  	_ =	strace s3  }
0x97: {  	_ =	strace $0x8FFFFFFF  }
0x98: {  	s19 =	sld [smem:$0x3FDB];
	_ =	sdelay $0x1  }
0x99: {  	s4 =	simm.s32 $_scs_section_size  }
0x9a: {  	s5 =	simm.s32 $_size__tile_overlayer_lowered;
	s6 =	simm.s32 $_tile_overlayer_lowered  }
0x9b: {  	s22 =	simm.s32 $0x1BFF;
	s21 =	sshll.u32 s6, $0x1;
	s3 =	sadd.s32 s4, s19  }
0x9c: {  	s7 =	simm.s32 $0x0;
	s20 =	sshll.u32 s5, $0x1;
	s5 =	sadd.s32 s21, s3  }
0x9d: {  	[timem:s7], [sflag:s22] =	dma.local [hbm:s5], s20  }
0x9e: {  	_ =	swait.ge [sflag:s22], s20  }
0x9f: {  	s4 =	ssub.s32 $0x0, s20;
	[sflag:s22] =	ssyncset.done $0x0  }
0xa0: {  	[sflag:s22] =	ssyncadd.s32 s4;
	_ =	sdelay $0x1  }
0xa1: {  	s23 =	simm.s32 $0x1B8B  }
0xa2: {  	_ =	swait.ge [sflag:s23], $0x1  }
0xa3: {  	[sflag:s23] =	ssyncset.done $0x0  }
0xa4: {  	s25 =	simm.s32 $0x1B8E;
	s24 =	sld [smem:$0x3FFE];
	[sflag:s23] =	ssyncadd.s32 $0xFFFFFFFF  }
0xa5: {  	s26 =	simm.s32 $execute0_lowered;
	[smem:$0x3FD2] =	sst s25  }
0xa6: {  	s5 =	sshll.u32 s26, $0x1;
	_ =	strace $0x80000046;
	[dreg:$0x1] =	wrdreg $0xFFFFFFFF  }
0xa7: {  	s28 =	simm.s32 $_size_execute0_lowered;
	s3 =	sadd.s32 s3, s5;
	[dreg:$0x0] =	wrdreg $0x0  }
0xa8: {  	s5 =	sshll.u32 s28, $0x1;
	[dreg:$0x2] =	wrdreg s3  }
0xa9: {  	[dreg:$0x3] =	wrdreg s5  }
0xaa: {  	[dreg:$0x4] =	wrdreg $0xC0  }
0xab: {  	_ =	task [dreg:s7], $0x5FFFF  }
0xac: {  	[dreg:$0x1] =	wrdreg $0xFFFFFFFF  }
0xad: {  	[dreg:$0x0] =	wrdreg $0x60  }
0xae: {  	[dreg:$0x2] =	wrdreg s24  }
0xaf: {  	[dreg:$0x3] =	wrdreg s2  }
0xb0: {  	[dreg:$0x4] =	wrdreg $0x28800  }
0xb1: {  	[dreg:$0x5] =	wrdreg $0x9  }
0xb2: {  	_ =	task.clear_ibuf [dreg:s7], $0x6FFFF;
	_ =	strace $0x90000046  }
0xb3: {  	s29 =	simm.s32 $0x9;
	_ =	strace $0x80000048  }
0xb4: {  	_ =	swait.ge [sflag:s29], $0x1  }
0xb5: {  	[sflag:s29] =	ssyncadd.s32 $0xFFFFFFFF  }
0xb6: {  	_ =	strace $0x90000048  }
0xb7: {  	_ =	sfence  }
0xb8: {  	s30 =	sld [smem:$0x0];
	_ =	sdelay $0x2  }
0xb9: {  	s31 =	sshll.u32 s1, $0xD;
	s1 =	sshrl.u32 s1, $0x2  }
0xba: {  	s3 =	sand.u32 $0x4000, s31;
	s1 =	sadd.s32 s1, s30  }
0xbb: {  	s0 =	sor.u32 s3, s0;
	s1 =	sshll.u32 s1, $0x11  }
0xbc: {  	s0 =	sor.u32 s1, s0  }
0xbd: {  	s0 =	sadd.s32 $0x8F2B, s0  }
0xbe: {  	[sflag:s0] =	ssyncadd.remote.s32 $0x1  }
0xbf: {  	_ =	sfence.sel $0xFFFF  }
0xc0: {  	[dreg:$0x0] =	wrdreg $0xFFFFFFFF;
	(pc) =	sbr.abs _section_cstart, $3  }
0xc1: {  	[dreg:$0x1] =	wrdreg $0xFFFFFFFF  }
0xc2: {  	_ =	task.clear_ibuf [dreg:s7], $0x2FFFF;
	_ =	strace $0x9FFFFFFF  }
0xc3: {  	(tm) =	ssettm $0x7FFFFFFF  }
tec
execute0_lowered:
.L_overlay_start_1:
0x0: {  	(tag) =	ssettag $0x1  }
0x1: {  	s5 =	rddreg [dreg:$0x0]  }
0x2: {  	s1 =	srdreg.scid;
	s2 =	rddreg [dreg:$0x1]  }
0x3: {  	s0 =	stileid.u32;
	s3 =	rddreg [dreg:$0x2];
	s4 =	simm.s32 $0x0  }
0x4: {  	s13 =	simm.s32 $0x80;
	s14 =	simm.s32 $0x20;
	s15 =	simm.s32 $0x10  }
0x5: {  	s16 =	simm.s32 $0x0;
	s6 =	sand.u32 $0x1, s1;
	s8 =	smul.u32 $0x500, s0  }
0x6: {  	s28 =	sshll.u32 s0, $0x1;
	[smem:$0x7FF] =	sst s4;
	s9 =	smul.u32 $0x280, s0  }
0x7: {  	s31 =	sshll.u32 s0, $0x6;
	s1 =	sor.u32 s6, s28;
	s10 =	sshll.u32 s6, $0x7  }
0x8: {  	s6 =	ssub.s32 $0x2, s6;
	s7 =	smul.u32 $0x500, s1;
	s1 =	rddreg [dreg:$0x3]  }
0x9: {  	_ =	strace $0x80000047;
	s8 =	sor.u32 s10, s8;
	s29 =	sshrl.u32 s9, $0x3  }
0xa: {  	s30 =	sshrl.u32 s6, $0x1;
	s12 =	sadd.s32 s9, s3;
	s8 =	sshrl.u32 s8, $0x3  }
0xb: {  	s10 =	sadd.s32 s29, s5;
	s11 =	ssub.s32 s6, s30;
	s6 =	sor.u32 $0x1C01, s31  }
0xc: {  	s7 =	sadd.s32 s7, s5;
	s8 =	sadd.s32 s8, s5;
	s5 =	sadd.s32 $0x16C00, s10  }
0xd: {  	s9 =	smax.u32 s11, $0x1;
	s10 =	sshrl.u32 s12, $0x3;
	s11 =	simm.s32 $0x1  }
0xe: {  	s12 =	simm.s32 $0x2800;
	s7 =	sadd.s32 $0x2C00, s7;
	s8 =	sadd.s32 $0x17200, s8  }
.LBB2_1:
0xf: {  	[spmem:s10], [sflag:s6] =	dma.local [hbm:s5], $0x50  }
0x10: {  	_ =	swait.ge [sflag:s11], $0x50  }
0x11: {  	[sflag:s11] =	ssyncset.done $0x0  }
0x12: {  	[sflag:s11] =	ssyncadd.s32 $0xFFFFFFB0  }
0x13: {  	[tilespmem:s4], [sflag:$0x1] =	stream.linear.gather [hbm4b:s7+s4], $0x2800, $0x38;
	[tilespmem:$0x2B00] =	vst v63  }
0x14: {  	_ =	swait.ge [sflag:s11], $0x2800  }
0x15: {  	[sflag:s11] =	ssyncset.done $0x0  }
0x16: {  	[sflag:s11] =	ssyncadd.s32 $0xFFFFD800  }
0x17: {  	[tilespmem:s12], [sflag:$0x1] =	stream.linear.gather [hbm4b:s2+s4], $0x80, $0x38;
	[tilespmem:$0x2B00] =	vst v63  }
0x18: {  	_ =	swait.ge [sflag:s11], $0x80  }
0x19: {  	[sflag:s11] =	ssyncset.done $0x0  }
0x1a: {  	[sflag:s11] =	ssyncadd.s32 $0xFFFFFF80  }
0x1b: {  	s17 =	simm.s32 $0x0;
	[bflag:$0x0] =	sbarrier.arrive $0xFFFF  }
0x1c: {  	[spmem:s3] =	stream.indirect.scatter.add.f32 [tilespmem:s12], [sflag:$0x1], $0x1, s17, s13, $0xb8;
	[tilespmem:$0x2B00] =	vst v63  }
0x1d: {  	_ =	swait.ge [sflag:s11], $0x80  }
0x1e: {  	s17 =	simm.s32 $0x200;
	[sflag:s11] =	ssyncset.done $0x0  }
.LBB2_2:
0x1f: {  	s18 =	sshra.s32 s17, $0x2;
	[sflag:s11] =	ssyncadd.s32 $0xFFFFFF80;
	p0 =	sne.s32 s17, $0x9E00  }
0x20: {  	[spmem:s3] =	stream.indirect.scatter.add.f32 [tilespmem:s12], [sflag:$0x1], $0x1, s18, s13, $0xb8;
	[tilespmem:$0x2B00] =	vst v63  }
.Ltmp0:
0x21: {  	_ = 	snop;
	(pc) =	sbr.rel @p0 .LBB2_2-.Ltmp0, $4  }
0x22: {  	_ = 	snop  }
0x23: {  	s17 =	sadd.s32 $0x200, s17  }
0x24: {  	_ =	swait.ge [sflag:s11], $0x80  }
0x25: {  	[sflag:s11] =	ssyncset.done $0x0  }
0x26: {  	s16 =	sadd.s32 $0x1, s16  }
0x27: {  	[sflag:s11] =	ssyncadd.s32 $0xFFFFFF80;
	p0 =	sne.s32 s16, s9  }
.Ltmp1:
0x28: {  	[bflag:$0x0] =	sbarrier.arrive $0xFFFF;
	(pc) =	sbr.rel @p0 .LBB2_1-.Ltmp1, $4  }
0x29: {  	[hbm:s8@s14], [sflag:s6] =	dma.strided [spmem:s10@s15], $0x50, s11, $0x10   }
0x2a: {  	_ =	swait.ge [sflag:s11], $0x50  }
0x2b: {  	[sflag:s11] =	ssyncset.done $0x0  }
0x2c: {  	[sflag:s11] =	ssyncadd.s32 $0xFFFFFFB0  }
0x2d: {  	_ =	sfence.sel $0x180000  }
0x2e: {  	[bflag:$0x0] =	sbarrier.arrive $0xFFFF  }
0x2f: {  	p0 =	sne.s32 s0, $0x0;
	_ =	strace $0x90000047  }
0x30: {  	s0 =	sadd.s32 @!p0 $0x100000, s1;
	[bflag:$0x2] =	sbarrier.arrive $0xFFFF  }
0x31: {  	[sflag:s0] =	ssyncadd.tile.s32 @!p0 $0x1;
	_ =	shalt  }
.Lfunc_end2:
_tile_overlayer_lowered:
.L_overlay_start_2:
0x32: {  	(tag) =	ssettag $0x2  }
0x33: {  	s0 =	rddreg [dreg:$0x0];
	s2 =	stileid.u32  }
0x34: {  	s1 =	rddreg [dreg:$0x1];
	p0 =	sne.s32 s2, $0x0  }
0x35: {  	s3 =	rddreg [dreg:$0x2];
	[bflag:$0x3] =	sbarrier.arrive $0xFFFF;
	s2 =	simm.s32 @!p0 $0x1C01  }
0x36: {  	[timem:s3], [sflag:s2] =	dma.local @!p0 [hbm:s0], s1  }
0x37: {  	s0 =	simm.s32 @!p0 $0x1  }
0x38: {  	_ =	swait.ge @!p0 [sflag:s0], s1  }
0x39: {  	s1 =	ssub.s32 @!p0 $0x0, s1;
	[sflag:s0] =	ssyncset.done @!p0 $0x0  }
0x3a: {  	[sflag:s0] =	ssyncadd.s32 @!p0 s1  }
0x3b: {  	[bflag:$0x3] =	sbarrier.arrive $0xFFFF  }
0x3c: {  	_ =	shalt  }

</sc_bundles>
